<compile_context>
chip_gen: v7x
topology: tpu7x:2x2x1
jax: 0.10.2.dev20260603
libtpu: 0.0.44.dev20260713+nightly
codegen_flags: <defaults>
</compile_context>

<pallas_src>
import functools

import jax
import jax.numpy as jnp
import numpy as np
from jax import lax
from jax.experimental import pallas as pl
from jax.experimental.pallas import tpu as pltpu
from jax.experimental.pallas import tpu_sc as plsc

B = 1024
N = 8192
D = 3
K = 12
H = 512
SHELL = 12
EV = 2
FLAT = K * D
OUT = SHELL * D * EV
NF = N * D
FP = 48

NC = 2
NS = 16
NW = NC * NS
RPW = B // NW
STEPS = N // 16


def _sc_knn_body(sol_hbm, ref_hbm, out_hbm,
                 xb0, yb0, zb0, xb1, yb1, zb1, refbuf, dbuf, chunklist,
                 cand_d2, cand_idx2, winbuf, outbuf, sem0, sem1):
    cid = lax.axis_index("c")
    sid = lax.axis_index("s")
    wid = sid * NC + cid
    base = wid * RPW

    iota = lax.broadcasted_iota(jnp.int32, (16,), 0)
    iota3 = iota * 3
    inf_v = jnp.full((16,), jnp.float32(np.inf), jnp.float32)
    zero_v = jnp.zeros((16,), jnp.float32)
    mask12 = iota < 12

    pltpu.sync_copy(ref_hbm.at[pl.ds(base * 3, RPW * 3)],
                    refbuf.at[pl.ds(0, RPW * 3)])

    def _zero(i, c):
        outbuf[pl.ds(i * 16, 16)] = zero_v
        return c
    lax.fori_loop(0, RPW * FP // 16, _zero, 0)

    def _fetch(r, bufs, sem):
        xb, yb, zb = bufs
        pltpu.async_copy(sol_hbm.at[0, r], xb, sem)
        pltpu.async_copy(sol_hbm.at[1, r], yb, sem)
        pltpu.async_copy(sol_hbm.at[2, r], zb, sem)

    def _wait(r, bufs, sem):
        xb, yb, zb = bufs
        pltpu.make_async_copy(sol_hbm.at[0, r], xb, sem).wait()
        pltpu.make_async_copy(sol_hbm.at[1, r], yb, sem).wait()
        pltpu.make_async_copy(sol_hbm.at[2, r], zb, sem).wait()

    bufs0 = (xb0, yb0, zb0)
    bufs1 = (xb1, yb1, zb1)

    _fetch(base, bufs0, sem0)

    def _row(j, bufs, sem_cur, bufs_next, sem_next):
        r = base + j
        xb, yb, zb = bufs
        rn = jnp.minimum(r + 1, B - 1)
        _fetch(rn, bufs_next, sem_next)
        _wait(r, bufs, sem_cur)

        jb = j * 3
        rx = plsc.load_gather(refbuf, [jnp.full((16,), jb, jnp.int32)])
        ry = plsc.load_gather(refbuf, [jnp.full((16,), jb + 1, jnp.int32)])
        rz = plsc.load_gather(refbuf, [jnp.full((16,), jb + 2, jnp.int32)])

        def _dist(s, rmin):
            o = s * 16
            dx = xb[pl.ds(o, 16)] - rx
            dy = yb[pl.ds(o, 16)] - ry
            dz = zb[pl.ds(o, 16)] - rz
            d = (dx * dx + dy * dy) + dz * dz
            dbuf[pl.ds(o, 16)] = d
            return jnp.minimum(rmin, d)
        rmin = plsc.parallel_loop(0, STEPS, carry=inf_v, unroll=8)(_dist)
        thresh = jnp.max(rmin)

        lane0 = iota == 0
        def _compress(s, nsl):
            d = dbuf[pl.ds(s * 16, 16)]
            msk = d <= thresh
            pc = plsc.all_reduce_population_count(msk)
            qual = pc > 0
            plsc.store_scatter(chunklist, [nsl],
                               jnp.full((16,), s, jnp.int32),
                               mask=lane0 & qual)
            return nsl + jnp.where(qual, 1, 0)
        nsl_v = plsc.parallel_loop(0, STEPS,
                                   carry=jnp.zeros((16,), jnp.int32),
                                   unroll=8)(_compress)
        nslots = jnp.max(nsl_v)

        def _pack(c, cnt):
            sv = plsc.load_gather(chunklist, [jnp.full((16,), c, jnp.int32)])
            ii = sv * 16 + iota
            d = plsc.load_gather(dbuf, [ii])
            msk = d <= thresh
            pos = cnt + plsc.cumsum(jnp.where(msk, 1, 0)) - 1
            plsc.store_scatter(cand_d2, [pos], d, mask=msk)
            plsc.store_scatter(cand_idx2, [pos], ii, mask=msk)
            return cnt + plsc.all_reduce_population_count(msk)
        cnt2 = plsc.parallel_loop(0, nslots,
                                  carry=jnp.zeros((16,), jnp.int32))(_pack)
        cnt2s = jnp.max(cnt2)
        plsc.store_scatter(cand_d2, [cnt2s + iota], inf_v)
        nch = cnt2s // 16 + 1

        winbuf[pl.ds(0, 16)] = jnp.zeros((16,), jnp.int32)

        def _round(k, c2):
            def _scan(c, carry):
                bd, bi, bp = carry
                d = cand_d2[pl.ds(c * 16, 16)]
                ii = cand_idx2[pl.ds(c * 16, 16)]
                pp = c * 16 + iota
                better = (d < bd) | ((d == bd) & (ii < bi))
                return (jnp.where(better, d, bd),
                        jnp.where(better, ii, bi),
                        jnp.where(better, pp, bp))
            big_i = jnp.full((16,), jnp.int32(2 ** 30), jnp.int32)
            bd, bi, bp = plsc.parallel_loop(
                0, nch, carry=(inf_v, big_i, big_i))(_scan)
            m = jnp.min(bd)
            eq = bd == m
            w = jnp.min(jnp.where(eq, bi, big_i))
            p = jnp.min(jnp.where(eq & (bi == w), bp, big_i))
            plsc.store_scatter(winbuf, [iota], jnp.full((16,), w, jnp.int32),
                               mask=iota == k)
            plsc.store_scatter(cand_d2, [jnp.full((16,), p, jnp.int32)], inf_v,
                               mask=iota == 0)
            return c2
        lax.fori_loop(0, K, _round, 0)

        wi = winbuf[pl.ds(0, 16)]
        xs = plsc.load_gather(xb, [wi]) - rx
        ys = plsc.load_gather(yb, [wi]) - ry
        zs = plsc.load_gather(zb, [wi]) - rz
        po = j * FP + iota3
        plsc.store_scatter(outbuf, [po], xs, mask=mask12)
        plsc.store_scatter(outbuf, [po + 1], ys, mask=mask12)
        plsc.store_scatter(outbuf, [po + 2], zs, mask=mask12)

    def _pair(t, c):
        _row(2 * t, bufs0, sem0, bufs1, sem1)
        _row(2 * t + 1, bufs1, sem1, bufs0, sem0)
        return c
    lax.fori_loop(0, RPW // 2, _pair, 0)

    _wait(0, bufs0, sem0)

    pltpu.sync_copy(outbuf, out_hbm.at[pl.ds(base * FP, RPW * FP)])


def _mlp_body(flat_ref, W1_ref, b1_ref, W2_ref, b2_ref, W3_ref, b3_ref,
              Wp_ref, bp_ref, Ws_ref, bs_ref, params_ref, shifts_ref):
    f = flat_ref[...]
    h = jnp.maximum(jnp.dot(f, W1_ref[...]) + b1_ref[...], 0.0)
    h = jnp.maximum(jnp.dot(h, W2_ref[...]) + b2_ref[...], 0.0)
    h = jnp.maximum(jnp.dot(h, W3_ref[...]) + b3_ref[...], 0.0)
    params_ref[...] = jnp.dot(h, Wp_ref[...]) + bp_ref[...]
    shifts_ref[...] = jnp.dot(f, Ws_ref[...]) + bs_ref[...]


@functools.partial(jax.jit, static_argnames=("interpret",))
def kernel(ref_coord, solute_coords, W1, b1, W2, b2, W3, b3, Wp, bp, Ws, bs,
           interpret=False):
    sol_t = jnp.transpose(solute_coords, (2, 0, 1))
    ref_flat = ref_coord.reshape(B * D)

    mesh = plsc.VectorSubcoreMesh(core_axis_name="c", subcore_axis_name="s",
                                  num_cores=NC, num_subcores=NS)
    sc_knn = pl.kernel(
        _sc_knn_body,
        out_type=jax.ShapeDtypeStruct((B * FP,), jnp.float32),
        mesh=mesh,
        scratch_types=[
            pltpu.VMEM((N,), jnp.float32),
            pltpu.VMEM((N,), jnp.float32),
            pltpu.VMEM((N,), jnp.float32),
            pltpu.VMEM((N,), jnp.float32),
            pltpu.VMEM((N,), jnp.float32),
            pltpu.VMEM((N,), jnp.float32),
            pltpu.VMEM((128,), jnp.float32),
            pltpu.VMEM((N,), jnp.float32),
            pltpu.VMEM((1024,), jnp.int32),
            pltpu.VMEM((N + 128,), jnp.float32),
            pltpu.VMEM((N + 128,), jnp.int32),
            pltpu.VMEM((128,), jnp.int32),
            pltpu.VMEM((RPW * FP,), jnp.float32),
            pltpu.SemaphoreType.DMA,
            pltpu.SemaphoreType.DMA,
        ],
        compiler_params=pltpu.CompilerParams(needs_layout_passes=False),
        interpret=interpret,
    )
    flat48 = sc_knn(sol_t, ref_flat).reshape(B, FP)

    W1p = jnp.pad(W1, ((0, FP - FLAT), (0, 0)))
    Wsp = jnp.pad(Ws, ((0, FP - FLAT), (0, 0)))

    params, shifts = pl.pallas_call(
        _mlp_body,
        out_shape=(
            jax.ShapeDtypeStruct((B, OUT), jnp.float32),
            jax.ShapeDtypeStruct((B, OUT), jnp.float32),
        ),
        interpret=interpret,
    )(flat48, W1p, b1.reshape(1, H), W2, b2.reshape(1, H), W3,
      b3.reshape(1, H), Wp, bp.reshape(1, OUT), Wsp, bs.reshape(1, OUT))
    return (params.reshape(B, SHELL, D, EV), shifts.reshape(B, SHELL, D, EV))

# --- scband reference (transcript-rebuilt; emitter-appended) ---
"""Pipeline reference for scband-particle-decoder-85813446574456 (READ-ONLY COPY).

The authoritative reference and input builder live on the scoring server;
editing this copy changes nothing except your own understanding.
"""

import jax, jax.numpy as jnp
import numpy as np

B = 1024
N = 8192
D = 3
K = 12
H = 512
SHELL = 12
EV = 2
FLAT = K * D
OUT = SHELL * D * EV


def setup_inputs(seed: int = 0) -> dict:
    key = jax.random.key(seed)
    ks = jax.random.split(key, 12)
    inp = {
        "ref_coord": jax.random.normal(ks[0], (B, D), dtype=jnp.float32) * 2.0,
        "solute_coords": jax.random.normal(ks[1], (B, N, D), dtype=jnp.float32) * 5.0,
        "W1": jax.random.normal(ks[2], (FLAT, H), dtype=jnp.float32) * (1.0 / np.sqrt(FLAT)),
        "b1": jnp.zeros((H,), dtype=jnp.float32),
        "W2": jax.random.normal(ks[3], (H, H), dtype=jnp.float32) * (1.0 / np.sqrt(H)),
        "b2": jnp.zeros((H,), dtype=jnp.float32),
        "W3": jax.random.normal(ks[4], (H, H), dtype=jnp.float32) * (1.0 / np.sqrt(H)),
        "b3": jnp.zeros((H,), dtype=jnp.float32),
        "Wp": jax.random.normal(ks[5], (H, OUT), dtype=jnp.float32) * (1.0 / np.sqrt(H)),
        "bp": jnp.zeros((OUT,), dtype=jnp.float32),
        "Ws": jax.random.normal(ks[6], (FLAT, OUT), dtype=jnp.float32) * (1.0 / np.sqrt(FLAT)),
        "bs": jnp.zeros((OUT,), dtype=jnp.float32),
    }
    return inp


def distance_mask(ref_coord, coords, k_neighbors):
    # local coords relative to reference point
    local_coords = coords - ref_coord[:, None, :]            # [B, N, D]
    dist_sq = jnp.sum(local_coords * local_coords, axis=-1)  # [B, N]
    neg_k_dists, k_inds = jax.lax.top_k(-dist_sq, k_neighbors)  # [B, K]
    k_coords = jnp.take_along_axis(local_coords, k_inds[..., None], axis=1)  # [B, K, D]
    return k_coords, k_inds, -neg_k_dists


def reference(ref_coord, solute_coords, W1, b1, W2, b2, W3, b3, Wp, bp, Ws, bs):
    # kNN retrieval of nearest solute coordinates around each reference point
    k_coords, k_inds, k_dists = distance_mask(ref_coord, solute_coords, K)
    # flatten neighbor coordinates (input_coords to SolvationNet)
    flat = jnp.reshape(k_coords, (k_coords.shape[0], FLAT))   # [B, K*D]
    # SolvationNet hidden stack (n_hidden=3 relu dense layers)
    h = jax.nn.relu(flat @ W1 + b1)
    h = jax.nn.relu(h @ W2 + b2)
    h = jax.nn.relu(h @ W3 + b3)
    # base distribution parameters (mean, log-var) per output coordinate
    params = (h @ Wp + bp).reshape(-1, SHELL, D, EV)
    # autoregressive shift net conditioned on the flattened knn coords
    shifts = (flat @ Ws + bs).reshape(-1, SHELL, D, EV)
    return params, shifts

if __name__ == "__main__":
    import jax
    _d = setup_inputs()
    print(jax.jit(kernel)(*tuple(_d.values())))

</pallas_src>

<mosaic_0001>
#map = affine_map<(d0, d1) -> (0, 0, 0)>
#map1 = affine_map<(d0, d1) -> (0)>
module attributes {stable_mosaic.version = 14 : i64} {
  func.func @_sc_knn_body(%arg0: i32, %arg1: i32, %arg2: memref<3x1024x8192xf32, #tpu.memory_space<hbm>>, %arg3: memref<3072xf32, #tpu.memory_space<hbm>>, %arg4: memref<49152xf32, #tpu.memory_space<hbm>>, %arg5: memref<8192xf32, #tpu.memory_space<vmem>>, %arg6: memref<8192xf32, #tpu.memory_space<vmem>>, %arg7: memref<8192xf32, #tpu.memory_space<vmem>>, %arg8: memref<8192xf32, #tpu.memory_space<vmem>>, %arg9: memref<8192xf32, #tpu.memory_space<vmem>>, %arg10: memref<8192xf32, #tpu.memory_space<vmem>>, %arg11: memref<128xf32, #tpu.memory_space<vmem>>, %arg12: memref<8192xf32, #tpu.memory_space<vmem>>, %arg13: memref<1024xi32, #tpu.memory_space<vmem>>, %arg14: memref<8320xf32, #tpu.memory_space<vmem>>, %arg15: memref<8320xi32, #tpu.memory_space<vmem>>, %arg16: memref<128xi32, #tpu.memory_space<vmem>>, %arg17: memref<1536xf32, #tpu.memory_space<vmem>>, %arg18: memref<!tpu.dma_semaphore, #tpu.memory_space<semaphore_mem>>, %arg19: memref<!tpu.dma_semaphore, #tpu.memory_space<semaphore_mem>>) attributes {dimension_semantics = [#tpu.dimension_semantics<core_parallel>, #tpu.dimension_semantics<subcore_parallel>], iteration_bounds = array<i64: 2, 16>, scalar_prefetch = 0 : i64, scratch_operands = 15 : i64, tpu.core_type = #tpu.core_type<sc_vector_subcore>, window_params = [{transform_indices = #map}, {transform_indices = #map1}, {transform_indices = #map1}]} {
    %mul3A = arith.constant 2 : i32
    %mul3A_0 = arith.muli %arg1, %mul3A : i32
    %add3A = arith.addi %mul3A_0, %arg0 : i32
    %mul3A_1 = arith.constant 32 : i32
    %mul3A_2 = arith.muli %add3A, %mul3A_1 : i32
    %iota3A = tpu.iota {dimensions = array<i32: 0>} : vector<16xi32>
    %mul3A_3 = arith.constant 3 : i32
    %mul3A_4 = vector.broadcast %mul3A_3 : i32 to vector<16xi32>
    %mul3A_5 = arith.muli %iota3A, %mul3A_4 : vector<16xi32>
    %broadcast_in_dim3A = arith.constant 0x7F800000 : f32
    %broadcast_in_dim3A_6 = vector.broadcast %broadcast_in_dim3A : f32 to vector<16xf32>
    %broadcast_in_dim3A_7 = arith.constant 0.000000e+00 : f32
    %broadcast_in_dim3A_8 = vector.broadcast %broadcast_in_dim3A_7 : f32 to vector<16xf32>
    %lt3A = arith.constant 12 : i32
    %lt3A_9 = vector.broadcast %lt3A : i32 to vector<16xi32>
    %lt3A_10 = arith.cmpi slt, %iota3A, %lt3A_9 : vector<16xi32>
    %mul3A_11 = arith.constant 3 : i32
    %mul3A_12 = arith.muli %mul3A_2, %mul3A_11 : i32
    "tpu.region"() ({
      %run_scoped3A = tpu.sem_alloc : memref<!tpu.dma_semaphore, #tpu.memory_space<semaphore_mem>>
      %dma_start3A_69 = arith.constant 0 : i32
      %dma_start3A_70 = tpu.memref_slice %arg11[%dma_start3A_69] : memref<128xf32, #tpu.memory_space<vmem>> -> memref<96xf32, #tpu.memory_space<vmem>>
      %dma_start3A_71 = tpu.memref_slice %arg3[%mul3A_12] : memref<3072xf32, #tpu.memory_space<hbm>> -> memref<96xf32, #tpu.memory_space<hbm>>
      %dma_start3A_72 = arith.constant 0 : i32
      %dma_start3A_73 = tpu.memref_slice %arg11[%dma_start3A_72] : memref<128xf32, #tpu.memory_space<vmem>> -> memref<96xf32, #tpu.memory_space<vmem>>
      %dma_start3A_74 = tpu.memref_slice %arg3[%mul3A_12] : memref<3072xf32, #tpu.memory_space<hbm>> -> memref<96xf32, #tpu.memory_space<hbm>>
      tpu.enqueue_dma source(%dma_start3A_74 : memref<96xf32, #tpu.memory_space<hbm>>) target(%dma_start3A_73 : memref<96xf32, #tpu.memory_space<vmem>>) target_semaphore(%run_scoped3A : memref<!tpu.dma_semaphore, #tpu.memory_space<semaphore_mem>>)
      %dma_wait3A_75 = arith.constant 0 : i32
      %dma_wait3A_76 = tpu.memref_slice %arg11[%dma_wait3A_75] : memref<128xf32, #tpu.memory_space<vmem>> -> memref<96xf32, #tpu.memory_space<vmem>>
      %dma_wait3A_77 = tpu.memref_slice %arg3[%mul3A_12] : memref<3072xf32, #tpu.memory_space<hbm>> -> memref<96xf32, #tpu.memory_space<hbm>>
      %dma_wait3A_78 = arith.constant 0 : i32
      %dma_wait3A_79 = tpu.memref_slice %arg11[%dma_wait3A_78] : memref<128xf32, #tpu.memory_space<vmem>> -> memref<96xf32, #tpu.memory_space<vmem>>
      %dma_wait3A_80 = tpu.memref_slice %arg3[%mul3A_12] : memref<3072xf32, #tpu.memory_space<hbm>> -> memref<96xf32, #tpu.memory_space<hbm>>
      tpu.wait_dma2 semaphore(%run_scoped3A : memref<!tpu.dma_semaphore, #tpu.memory_space<semaphore_mem>>) src(%dma_wait3A_80 : memref<96xf32, #tpu.memory_space<hbm>>) dst(%dma_wait3A_79 : memref<96xf32, #tpu.memory_space<vmem>>)
      tpu.yield
    }) : () -> ()
    %scan3A = arith.constant 0 : i32
    %scan3A_13 = arith.constant 0 : i32
    %scan3A_14 = arith.constant 96 : i32
    %scan3A_15 = arith.addi %scan3A_13, %scan3A_14 : i32
    %scan3A_16 = arith.constant 1 : i32
    scf.for %scan3A_69 = %scan3A_13 to %scan3A_15 step %scan3A_16  : i32 {
      %mul3A_70 = arith.constant 16 : i32
      %mul3A_71 = arith.muli %scan3A_69, %mul3A_70 : i32
      %swap3A = arith.index_cast %mul3A_71 : i32 to index
      %swap3A_72 = tpu.vector_load %arg17[%swap3A] {strides = array<i32>} : memref<1536xf32, #tpu.memory_space<vmem>>, vector<16xf32>,
      tpu.vector_store %arg17[%swap3A], %broadcast_in_dim3A_8 {strides = array<i32>} : memref<1536xf32, #tpu.memory_space<vmem>>, vector<16xf32>,
    }
    %scan3A_17 = arith.constant 96 : i32
    %dma_start3A = arith.constant 0 : i32
    %dma_start3A_18 = arith.constant 0 : i32
    %dma_start3A_19 = tpu.memref_slice %arg2[%dma_start3A, %mul3A_2, %dma_start3A_18] : memref<3x1024x8192xf32, #tpu.memory_space<hbm>> -> memref<1x1x8192xf32, #tpu.memory_space<hbm>>
    %dma_start3A_20 = tpu.memref_squeeze %dma_start3A_19 : memref<1x1x8192xf32, #tpu.memory_space<hbm>> -> memref<8192xf32, #tpu.memory_space<hbm>>
    %dma_start3A_21 = arith.constant 0 : i32
    %dma_start3A_22 = tpu.memref_slice %arg2[%dma_start3A, %mul3A_2, %dma_start3A_21] : memref<3x1024x8192xf32, #tpu.memory_space<hbm>> -> memref<1x1x8192xf32, #tpu.memory_space<hbm>>
    %dma_start3A_23 = tpu.memref_squeeze %dma_start3A_22 : memref<1x1x8192xf32, #tpu.memory_space<hbm>> -> memref<8192xf32, #tpu.memory_space<hbm>>
    tpu.enqueue_dma source(%dma_start3A_23 : memref<8192xf32, #tpu.memory_space<hbm>>) target(%arg5 : memref<8192xf32, #tpu.memory_space<vmem>>) target_semaphore(%arg18 : memref<!tpu.dma_semaphore, #tpu.memory_space<semaphore_mem>>)
    %dma_start3A_24 = arith.constant 1 : i32
    %dma_start3A_25 = arith.constant 0 : i32
    %dma_start3A_26 = tpu.memref_slice %arg2[%dma_start3A_24, %mul3A_2, %dma_start3A_25] : memref<3x1024x8192xf32, #tpu.memory_space<hbm>> -> memref<1x1x8192xf32, #tpu.memory_space<hbm>>
    %dma_start3A_27 = tpu.memref_squeeze %dma_start3A_26 : memref<1x1x8192xf32, #tpu.memory_space<hbm>> -> memref<8192xf32, #tpu.memory_space<hbm>>
    %dma_start3A_28 = arith.constant 0 : i32
    %dma_start3A_29 = tpu.memref_slice %arg2[%dma_start3A_24, %mul3A_2, %dma_start3A_28] : memref<3x1024x8192xf32, #tpu.memory_space<hbm>> -> memref<1x1x8192xf32, #tpu.memory_space<hbm>>
    %dma_start3A_30 = tpu.memref_squeeze %dma_start3A_29 : memref<1x1x8192xf32, #tpu.memory_space<hbm>> -> memref<8192xf32, #tpu.memory_space<hbm>>
    tpu.enqueue_dma source(%dma_start3A_30 : memref<8192xf32, #tpu.memory_space<hbm>>) target(%arg6 : memref<8192xf32, #tpu.memory_space<vmem>>) target_semaphore(%arg18 : memref<!tpu.dma_semaphore, #tpu.memory_space<semaphore_mem>>)
    %dma_start3A_31 = arith.constant 2 : i32
    %dma_start3A_32 = arith.constant 0 : i32
    %dma_start3A_33 = tpu.memref_slice %arg2[%dma_start3A_31, %mul3A_2, %dma_start3A_32] : memref<3x1024x8192xf32, #tpu.memory_space<hbm>> -> memref<1x1x8192xf32, #tpu.memory_space<hbm>>
    %dma_start3A_34 = tpu.memref_squeeze %dma_start3A_33 : memref<1x1x8192xf32, #tpu.memory_space<hbm>> -> memref<8192xf32, #tpu.memory_space<hbm>>
    %dma_start3A_35 = arith.constant 0 : i32
    %dma_start3A_36 = tpu.memref_slice %arg2[%dma_start3A_31, %mul3A_2, %dma_start3A_35] : memref<3x1024x8192xf32, #tpu.memory_space<hbm>> -> memref<1x1x8192xf32, #tpu.memory_space<hbm>>
    %dma_start3A_37 = tpu.memref_squeeze %dma_start3A_36 : memref<1x1x8192xf32, #tpu.memory_space<hbm>> -> memref<8192xf32, #tpu.memory_space<hbm>>
    tpu.enqueue_dma source(%dma_start3A_37 : memref<8192xf32, #tpu.memory_space<hbm>>) target(%arg7 : memref<8192xf32, #tpu.memory_space<vmem>>) target_semaphore(%arg18 : memref<!tpu.dma_semaphore, #tpu.memory_space<semaphore_mem>>)
    %scan3A_38 = arith.constant 0 : i32
    %scan3A_39 = arith.constant 0 : i32
    %scan3A_40 = arith.constant 16 : i32
    %scan3A_41 = arith.addi %scan3A_39, %scan3A_40 : i32
    %scan3A_42 = arith.constant 1 : i32
    scf.for %scan3A_69 = %scan3A_39 to %scan3A_41 step %scan3A_42  : i32 {
      %mul3A_70 = arith.constant 2 : i32
      %mul3A_71 = arith.muli %mul3A_70, %scan3A_69 : i32
      %add3A_72 = arith.addi %mul3A_2, %mul3A_71 : i32
      %add3A_73 = arith.constant 1 : i32
      %add3A_74 = arith.addi %add3A_72, %add3A_73 : i32
      %min3A = arith.constant 1023 : i32
      %min3A_75 = arith.minsi %add3A_74, %min3A : i32
      %dma_start3A_76 = arith.constant 0 : i32
      %dma_start3A_77 = arith.constant 0 : i32
      %dma_start3A_78 = tpu.memref_slice %arg2[%dma_start3A_76, %min3A_75, %dma_start3A_77] : memref<3x1024x8192xf32, #tpu.memory_space<hbm>> -> memref<1x1x8192xf32, #tpu.memory_space<hbm>>
      %dma_start3A_79 = tpu.memref_squeeze %dma_start3A_78 : memref<1x1x8192xf32, #tpu.memory_space<hbm>> -> memref<8192xf32, #tpu.memory_space<hbm>>
      %dma_start3A_80 = arith.constant 0 : i32
      %dma_start3A_81 = tpu.memref_slice %arg2[%dma_start3A_76, %min3A_75, %dma_start3A_80] : memref<3x1024x8192xf32, #tpu.memory_space<hbm>> -> memref<1x1x8192xf32, #tpu.memory_space<hbm>>
      %dma_start3A_82 = tpu.memref_squeeze %dma_start3A_81 : memref<1x1x8192xf32, #tpu.memory_space<hbm>> -> memref<8192xf32, #tpu.memory_space<hbm>>
      tpu.enqueue_dma source(%dma_start3A_82 : memref<8192xf32, #tpu.memory_space<hbm>>) target(%arg8 : memref<8192xf32, #tpu.memory_space<vmem>>) target_semaphore(%arg19 : memref<!tpu.dma_semaphore, #tpu.memory_space<semaphore_mem>>)
      %dma_start3A_83 = arith.constant 1 : i32
      %dma_start3A_84 = arith.constant 0 : i32
      %dma_start3A_85 = tpu.memref_slice %arg2[%dma_start3A_83, %min3A_75, %dma_start3A_84] : memref<3x1024x8192xf32, #tpu.memory_space<hbm>> -> memref<1x1x8192xf32, #tpu.memory_space<hbm>>
      %dma_start3A_86 = tpu.memref_squeeze %dma_start3A_85 : memref<1x1x8192xf32, #tpu.memory_space<hbm>> -> memref<8192xf32, #tpu.memory_space<hbm>>
      %dma_start3A_87 = arith.constant 0 : i32
      %dma_start3A_88 = tpu.memref_slice %arg2[%dma_start3A_83, %min3A_75, %dma_start3A_87] : memref<3x1024x8192xf32, #tpu.memory_space<hbm>> -> memref<1x1x8192xf32, #tpu.memory_space<hbm>>
      %dma_start3A_89 = tpu.memref_squeeze %dma_start3A_88 : memref<1x1x8192xf32, #tpu.memory_space<hbm>> -> memref<8192xf32, #tpu.memory_space<hbm>>
      tpu.enqueue_dma source(%dma_start3A_89 : memref<8192xf32, #tpu.memory_space<hbm>>) target(%arg9 : memref<8192xf32, #tpu.memory_space<vmem>>) target_semaphore(%arg19 : memref<!tpu.dma_semaphore, #tpu.memory_space<semaphore_mem>>)
      %dma_start3A_90 = arith.constant 2 : i32
      %dma_start3A_91 = arith.constant 0 : i32
      %dma_start3A_92 = tpu.memref_slice %arg2[%dma_start3A_90, %min3A_75, %dma_start3A_91] : memref<3x1024x8192xf32, #tpu.memory_space<hbm>> -> memref<1x1x8192xf32, #tpu.memory_space<hbm>>
      %dma_start3A_93 = tpu.memref_squeeze %dma_start3A_92 : memref<1x1x8192xf32, #tpu.memory_space<hbm>> -> memref<8192xf32, #tpu.memory_space<hbm>>
      %dma_start3A_94 = arith.constant 0 : i32
      %dma_start3A_95 = tpu.memref_slice %arg2[%dma_start3A_90, %min3A_75, %dma_start3A_94] : memref<3x1024x8192xf32, #tpu.memory_space<hbm>> -> memref<1x1x8192xf32, #tpu.memory_space<hbm>>
      %dma_start3A_96 = tpu.memref_squeeze %dma_start3A_95 : memref<1x1x8192xf32, #tpu.memory_space<hbm>> -> memref<8192xf32, #tpu.memory_space<hbm>>
      tpu.enqueue_dma source(%dma_start3A_96 : memref<8192xf32, #tpu.memory_space<hbm>>) target(%arg10 : memref<8192xf32, #tpu.memory_space<vmem>>) target_semaphore(%arg19 : memref<!tpu.dma_semaphore, #tpu.memory_space<semaphore_mem>>)
      %dma_wait3A_97 = arith.constant 0 : i32
      %dma_wait3A_98 = arith.constant 0 : i32
      %dma_wait3A_99 = tpu.memref_slice %arg2[%dma_wait3A_97, %add3A_72, %dma_wait3A_98] : memref<3x1024x8192xf32, #tpu.memory_space<hbm>> -> memref<1x1x8192xf32, #tpu.memory_space<hbm>>
      %dma_wait3A_100 = tpu.memref_squeeze %dma_wait3A_99 : memref<1x1x8192xf32, #tpu.memory_space<hbm>> -> memref<8192xf32, #tpu.memory_space<hbm>>
      %dma_wait3A_101 = arith.constant 0 : i32
      %dma_wait3A_102 = tpu.memref_slice %arg2[%dma_wait3A_97, %add3A_72, %dma_wait3A_101] : memref<3x1024x8192xf32, #tpu.memory_space<hbm>> -> memref<1x1x8192xf32, #tpu.memory_space<hbm>>
      %dma_wait3A_103 = tpu.memref_squeeze %dma_wait3A_102 : memref<1x1x8192xf32, #tpu.memory_space<hbm>> -> memref<8192xf32, #tpu.memory_space<hbm>>
      tpu.wait_dma2 semaphore(%arg18 : memref<!tpu.dma_semaphore, #tpu.memory_space<semaphore_mem>>) src(%dma_wait3A_103 : memref<8192xf32, #tpu.memory_space<hbm>>) dst(%arg5 : memref<8192xf32, #tpu.memory_space<vmem>>)
      %dma_wait3A_104 = arith.constant 1 : i32
      %dma_wait3A_105 = arith.constant 0 : i32
      %dma_wait3A_106 = tpu.memref_slice %arg2[%dma_wait3A_104, %add3A_72, %dma_wait3A_105] : memref<3x1024x8192xf32, #tpu.memory_space<hbm>> -> memref<1x1x8192xf32, #tpu.memory_space<hbm>>
      %dma_wait3A_107 = tpu.memref_squeeze %dma_wait3A_106 : memref<1x1x8192xf32, #tpu.memory_space<hbm>> -> memref<8192xf32, #tpu.memory_space<hbm>>
      %dma_wait3A_108 = arith.constant 0 : i32
      %dma_wait3A_109 = tpu.memref_slice %arg2[%dma_wait3A_104, %add3A_72, %dma_wait3A_108] : memref<3x1024x8192xf32, #tpu.memory_space<hbm>> -> memref<1x1x8192xf32, #tpu.memory_space<hbm>>
      %dma_wait3A_110 = tpu.memref_squeeze %dma_wait3A_109 : memref<1x1x8192xf32, #tpu.memory_space<hbm>> -> memref<8192xf32, #tpu.memory_space<hbm>>
      tpu.wait_dma2 semaphore(%arg18 : memref<!tpu.dma_semaphore, #tpu.memory_space<semaphore_mem>>) src(%dma_wait3A_110 : memref<8192xf32, #tpu.memory_space<hbm>>) dst(%arg6 : memref<8192xf32, #tpu.memory_space<vmem>>)
      %dma_wait3A_111 = arith.constant 2 : i32
      %dma_wait3A_112 = arith.constant 0 : i32
      %dma_wait3A_113 = tpu.memref_slice %arg2[%dma_wait3A_111, %add3A_72, %dma_wait3A_112] : memref<3x1024x8192xf32, #tpu.memory_space<hbm>> -> memref<1x1x8192xf32, #tpu.memory_space<hbm>>
      %dma_wait3A_114 = tpu.memref_squeeze %dma_wait3A_113 : memref<1x1x8192xf32, #tpu.memory_space<hbm>> -> memref<8192xf32, #tpu.memory_space<hbm>>
      %dma_wait3A_115 = arith.constant 0 : i32
      %dma_wait3A_116 = tpu.memref_slice %arg2[%dma_wait3A_111, %add3A_72, %dma_wait3A_115] : memref<3x1024x8192xf32, #tpu.memory_space<hbm>> -> memref<1x1x8192xf32, #tpu.memory_space<hbm>>
      %dma_wait3A_117 = tpu.memref_squeeze %dma_wait3A_116 : memref<1x1x8192xf32, #tpu.memory_space<hbm>> -> memref<8192xf32, #tpu.memory_space<hbm>>
      tpu.wait_dma2 semaphore(%arg18 : memref<!tpu.dma_semaphore, #tpu.memory_space<semaphore_mem>>) src(%dma_wait3A_117 : memref<8192xf32, #tpu.memory_space<hbm>>) dst(%arg7 : memref<8192xf32, #tpu.memory_space<vmem>>)
      %mul3A_118 = arith.constant 3 : i32
      %mul3A_119 = arith.muli %mul3A_71, %mul3A_118 : i32
      %broadcast_in_dim3A_120 = vector.broadcast %mul3A_119 : i32 to vector<16xi32>
      %gather3A = tpu.vector_load_idx %arg11[%broadcast_in_dim3A_120] : memref<128xf32, #tpu.memory_space<vmem>>[vector<16xi32>], vector<16xf32>,
      %add3A_121 = arith.constant 1 : i32
      %add3A_122 = arith.addi %mul3A_119, %add3A_121 : i32
      %broadcast_in_dim3A_123 = vector.broadcast %add3A_122 : i32 to vector<16xi32>
      %gather3A_124 = tpu.vector_load_idx %arg11[%broadcast_in_dim3A_123] : memref<128xf32, #tpu.memory_space<vmem>>[vector<16xi32>], vector<16xf32>,
      %add3A_125 = arith.constant 2 : i32
      %add3A_126 = arith.addi %mul3A_119, %add3A_125 : i32
      %broadcast_in_dim3A_127 = vector.broadcast %add3A_126 : i32 to vector<16xi32>
      %gather3A_128 = tpu.vector_load_idx %arg11[%broadcast_in_dim3A_127] : memref<128xf32, #tpu.memory_space<vmem>>[vector<16xi32>], vector<16xf32>,
      %parallel_loop3A = arith.constant 0 : i32
      %parallel_loop3A_129 = arith.constant 512 : i32
      %parallel_loop3A_130 = arith.constant 1 : i32
      %parallel_loop3A_131 = scf.for %parallel_loop3A_367 = %parallel_loop3A to %parallel_loop3A_129 step %parallel_loop3A_130 iter_args(%parallel_loop3A_368 = %broadcast_in_dim3A_6) -> (vector<16xf32>)  : i32 {
        %parallel_loop3A_369 = arith.constant 16 : i32
        %parallel_loop3A_370 = arith.muli %parallel_loop3A_367, %parallel_loop3A_369 : i32
        %parallel_loop3A_371 = arith.index_cast %parallel_loop3A_370 : i32 to index
        %parallel_loop3A_372 = tpu.vector_load %arg5[%parallel_loop3A_371] {strides = array<i32>} : memref<8192xf32, #tpu.memory_space<vmem>>, vector<16xf32>,
        %parallel_loop3A_373 = arith.subf %parallel_loop3A_372, %gather3A : vector<16xf32>
        %parallel_loop3A_374 = arith.index_cast %parallel_loop3A_370 : i32 to index
        %parallel_loop3A_375 = tpu.vector_load %arg6[%parallel_loop3A_374] {strides = array<i32>} : memref<8192xf32, #tpu.memory_space<vmem>>, vector<16xf32>,
        %parallel_loop3A_376 = arith.subf %parallel_loop3A_375, %gather3A_124 : vector<16xf32>
        %parallel_loop3A_377 = arith.index_cast %parallel_loop3A_370 : i32 to index
        %parallel_loop3A_378 = tpu.vector_load %arg7[%parallel_loop3A_377] {strides = array<i32>} : memref<8192xf32, #tpu.memory_space<vmem>>, vector<16xf32>,
        %parallel_loop3A_379 = arith.subf %parallel_loop3A_378, %gather3A_128 : vector<16xf32>
        %parallel_loop3A_380 = arith.mulf %parallel_loop3A_373, %parallel_loop3A_373 : vector<16xf32>
        %parallel_loop3A_381 = arith.mulf %parallel_loop3A_376, %parallel_loop3A_376 : vector<16xf32>
        %parallel_loop3A_382 = arith.addf %parallel_loop3A_380, %parallel_loop3A_381 : vector<16xf32>
        %parallel_loop3A_383 = arith.mulf %parallel_loop3A_379, %parallel_loop3A_379 : vector<16xf32>
        %parallel_loop3A_384 = arith.addf %parallel_loop3A_382, %parallel_loop3A_383 : vector<16xf32>
        %parallel_loop3A_385 = arith.index_cast %parallel_loop3A_370 : i32 to index
        %parallel_loop3A_386 = tpu.vector_load %arg12[%parallel_loop3A_385] {strides = array<i32>} : memref<8192xf32, #tpu.memory_space<vmem>>, vector<16xf32>,
        tpu.vector_store %arg12[%parallel_loop3A_385], %parallel_loop3A_384 {strides = array<i32>} : memref<8192xf32, #tpu.memory_space<vmem>>, vector<16xf32>,
        %parallel_loop3A_387 = arith.minimumf %parallel_loop3A_368, %parallel_loop3A_384 : vector<16xf32>
        scf.yield %parallel_loop3A_387 : vector<16xf32>
      } {sc.loop_unroll_factor = 8 : i64, sc.parallel_access}
      %reduce_max3A = arith.constant true
      %reduce_max3A_132 = vector.broadcast %reduce_max3A : i1 to vector<16xi1>
      %reduce_max3A_133 = tpu.scan <max>, %parallel_loop3A_131 masked %reduce_max3A_132 : vector<16xf32>, vector<16xi1> -> vector<16xf32>
      %reduce_max3A_134 = vector.extract %reduce_max3A_133[15] : f32 from vector<16xf32>
      %eq3A = arith.constant 0 : i32
      %eq3A_135 = vector.broadcast %eq3A : i32 to vector<16xi32>
      %eq3A_136 = arith.cmpi eq, %iota3A, %eq3A_135 : vector<16xi32>
      %broadcast_in_dim3A_137 = arith.constant 0 : i32
      %broadcast_in_dim3A_138 = vector.broadcast %broadcast_in_dim3A_137 : i32 to vector<16xi32>
      %parallel_loop3A_139 = arith.constant 0 : i32
      %parallel_loop3A_140 = arith.constant 512 : i32
      %parallel_loop3A_141 = arith.constant 1 : i32
      %parallel_loop3A_142 = scf.for %parallel_loop3A_367 = %parallel_loop3A_139 to %parallel_loop3A_140 step %parallel_loop3A_141 iter_args(%parallel_loop3A_368 = %broadcast_in_dim3A_138) -> (vector<16xi32>)  : i32 {
        %parallel_loop3A_369 = arith.constant 16 : i32
        %parallel_loop3A_370 = arith.muli %parallel_loop3A_367, %parallel_loop3A_369 : i32
        %parallel_loop3A_371 = arith.index_cast %parallel_loop3A_370 : i32 to index
        %parallel_loop3A_372 = tpu.vector_load %arg12[%parallel_loop3A_371] {strides = array<i32>} : memref<8192xf32, #tpu.memory_space<vmem>>, vector<16xf32>,
        %parallel_loop3A_373 = vector.broadcast %reduce_max3A_134 : f32 to vector<16xf32>
        %parallel_loop3A_374 = arith.cmpf ole, %parallel_loop3A_372, %parallel_loop3A_373 : vector<16xf32>
        %parallel_loop3A_375 = tpu.all_reduce %parallel_loop3A_374 {dim = 0 : i64, kind = #tpu.reduction_kind<sum>} : vector<16xi1> -> vector<16xi32>
        %parallel_loop3A_376 = arith.constant 0 : i32
        %parallel_loop3A_377 = vector.broadcast %parallel_loop3A_376 : i32 to vector<16xi32>
        %parallel_loop3A_378 = arith.cmpi sgt, %parallel_loop3A_375, %parallel_loop3A_377 : vector<16xi32>
        %parallel_loop3A_379 = vector.broadcast %parallel_loop3A_367 : i32 to vector<16xi32>
        %parallel_loop3A_380 = arith.andi %eq3A_136, %parallel_loop3A_378 : vector<16xi1>
        tpu.vector_store_idx %arg13[%parallel_loop3A_368], %parallel_loop3A_379 masked %parallel_loop3A_380 : memref<1024xi32, #tpu.memory_space<vmem>>[vector<16xi32>], vector<16xi32>, vector<16xi1>
        %parallel_loop3A_381 = arith.constant 1 : i32
        %parallel_loop3A_382 = arith.constant 0 : i32
        %parallel_loop3A_383 = vector.broadcast %parallel_loop3A_381 : i32 to vector<16xi32>
        %parallel_loop3A_384 = vector.broadcast %parallel_loop3A_382 : i32 to vector<16xi32>
        %parallel_loop3A_385 = arith.select %parallel_loop3A_378, %parallel_loop3A_383, %parallel_loop3A_384 : vector<16xi1>, vector<16xi32>
        %parallel_loop3A_386 = arith.addi %parallel_loop3A_368, %parallel_loop3A_385 : vector<16xi32>
        scf.yield %parallel_loop3A_386 : vector<16xi32>
      } {sc.loop_unroll_factor = 8 : i64, sc.parallel_access}
      %reduce_max3A_143 = arith.constant true
      %reduce_max3A_144 = vector.broadcast %reduce_max3A_143 : i1 to vector<16xi1>
      %reduce_max3A_145 = arith.constant -2147483648 : i32
      %reduce_max3A_146 = vector.broadcast %reduce_max3A_145 : i32 to vector<16xi32>
      %reduce_max3A_147 = arith.xori %parallel_loop3A_142, %reduce_max3A_146 : vector<16xi32>
      %reduce_max3A_148 = tpu.scan <max>, %reduce_max3A_147 masked %reduce_max3A_144 : vector<16xi32>, vector<16xi1> -> vector<16xi32>
      %reduce_max3A_149 = arith.xori %reduce_max3A_148, %reduce_max3A_146 : vector<16xi32>
      %reduce_max3A_150 = vector.extract %reduce_max3A_149[15] : i32 from vector<16xi32>
      %broadcast_in_dim3A_151 = arith.constant 0 : i32
      %broadcast_in_dim3A_152 = vector.broadcast %broadcast_in_dim3A_151 : i32 to vector<16xi32>
      %parallel_loop3A_153 = arith.constant 0 : i32
      %parallel_loop3A_154 = arith.constant 1 : i32
      %parallel_loop3A_155 = scf.for %parallel_loop3A_367 = %parallel_loop3A_153 to %reduce_max3A_150 step %parallel_loop3A_154 iter_args(%parallel_loop3A_368 = %broadcast_in_dim3A_152) -> (vector<16xi32>)  : i32 {
        %parallel_loop3A_369 = vector.broadcast %parallel_loop3A_367 : i32 to vector<16xi32>
        %parallel_loop3A_370 = tpu.vector_load_idx %arg13[%parallel_loop3A_369] : memref<1024xi32, #tpu.memory_space<vmem>>[vector<16xi32>], vector<16xi32>,
        %parallel_loop3A_371 = arith.constant 16 : i32
        %parallel_loop3A_372 = vector.broadcast %parallel_loop3A_371 : i32 to vector<16xi32>
        %parallel_loop3A_373 = arith.muli %parallel_loop3A_370, %parallel_loop3A_372 : vector<16xi32>
        %parallel_loop3A_374 = arith.addi %parallel_loop3A_373, %iota3A : vector<16xi32>
        %parallel_loop3A_375 = tpu.vector_load_idx %arg12[%parallel_loop3A_374] : memref<8192xf32, #tpu.memory_space<vmem>>[vector<16xi32>], vector<16xf32>,
        %parallel_loop3A_376 = vector.broadcast %reduce_max3A_134 : f32 to vector<16xf32>
        %parallel_loop3A_377 = arith.cmpf ole, %parallel_loop3A_375, %parallel_loop3A_376 : vector<16xf32>
        %parallel_loop3A_378 = arith.constant 1 : i32
        %parallel_loop3A_379 = arith.constant 0 : i32
        %parallel_loop3A_380 = vector.broadcast %parallel_loop3A_378 : i32 to vector<16xi32>
        %parallel_loop3A_381 = vector.broadcast %parallel_loop3A_379 : i32 to vector<16xi32>
        %parallel_loop3A_382 = arith.select %parallel_loop3A_377, %parallel_loop3A_380, %parallel_loop3A_381 : vector<16xi1>, vector<16xi32>
        %parallel_loop3A_383 = arith.constant true
        %parallel_loop3A_384 = vector.broadcast %parallel_loop3A_383 : i1 to vector<16xi1>
        %parallel_loop3A_385 = tpu.scan <sum>, %parallel_loop3A_382 masked %parallel_loop3A_384 : vector<16xi32>, vector<16xi1> -> vector<16xi32>
        %parallel_loop3A_386 = arith.addi %parallel_loop3A_368, %parallel_loop3A_385 : vector<16xi32>
        %parallel_loop3A_387 = arith.constant 1 : i32
        %parallel_loop3A_388 = vector.broadcast %parallel_loop3A_387 : i32 to vector<16xi32>
        %parallel_loop3A_389 = arith.subi %parallel_loop3A_386, %parallel_loop3A_388 : vector<16xi32>
        tpu.vector_store_idx %arg14[%parallel_loop3A_389], %parallel_loop3A_375 masked %parallel_loop3A_377 : memref<8320xf32, #tpu.memory_space<vmem>>[vector<16xi32>], vector<16xf32>, vector<16xi1>
        tpu.vector_store_idx %arg15[%parallel_loop3A_389], %parallel_loop3A_374 masked %parallel_loop3A_377 : memref<8320xi32, #tpu.memory_space<vmem>>[vector<16xi32>], vector<16xi32>, vector<16xi1>
        %parallel_loop3A_390 = tpu.all_reduce %parallel_loop3A_377 {dim = 0 : i64, kind = #tpu.reduction_kind<sum>} : vector<16xi1> -> vector<16xi32>
        %parallel_loop3A_391 = arith.addi %parallel_loop3A_368, %parallel_loop3A_390 : vector<16xi32>
        scf.yield %parallel_loop3A_391 : vector<16xi32>
      } {sc.loop_unroll_factor = 1 : i64, sc.parallel_access}
      %reduce_max3A_156 = arith.constant true
      %reduce_max3A_157 = vector.broadcast %reduce_max3A_156 : i1 to vector<16xi1>
      %reduce_max3A_158 = arith.constant -2147483648 : i32
      %reduce_max3A_159 = vector.broadcast %reduce_max3A_158 : i32 to vector<16xi32>
      %reduce_max3A_160 = arith.xori %parallel_loop3A_155, %reduce_max3A_159 : vector<16xi32>
      %reduce_max3A_161 = tpu.scan <max>, %reduce_max3A_160 masked %reduce_max3A_157 : vector<16xi32>, vector<16xi1> -> vector<16xi32>
      %reduce_max3A_162 = arith.xori %reduce_max3A_161, %reduce_max3A_159 : vector<16xi32>
      %reduce_max3A_163 = vector.extract %reduce_max3A_162[15] : i32 from vector<16xi32>
      %add3A_164 = vector.broadcast %reduce_max3A_163 : i32 to vector<16xi32>
      %add3A_165 = arith.addi %add3A_164, %iota3A : vector<16xi32>
      tpu.vector_store_idx %arg14[%add3A_165], %broadcast_in_dim3A_6 : memref<8320xf32, #tpu.memory_space<vmem>>[vector<16xi32>], vector<16xf32>,
      %jit3A = arith.constant 16 : i32
      %div3A = arith.divsi %reduce_max3A_163, %jit3A : i32
      %sign3A = arith.constant 0 : i32
      %sign3A_166 = arith.cmpi sgt, %reduce_max3A_163, %sign3A : i32
      %sign3A_167 = arith.extui %sign3A_166 : i1 to i32
      %sign3A_168 = arith.constant 0 : i32
      %sign3A_169 = arith.cmpi slt, %reduce_max3A_163, %sign3A_168 : i32
      %sign3A_170 = arith.extui %sign3A_169 : i1 to i32
      %sign3A_171 = arith.subi %sign3A_167, %sign3A_170 : i32
      %sign3A_172 = arith.constant 0 : i32
      %sign3A_173 = arith.cmpi sgt, %jit3A, %sign3A_172 : i32
      %sign3A_174 = arith.extui %sign3A_173 : i1 to i32
      %sign3A_175 = arith.constant 0 : i32
      %sign3A_176 = arith.cmpi slt, %jit3A, %sign3A_175 : i32
      %sign3A_177 = arith.extui %sign3A_176 : i1 to i32
      %sign3A_178 = arith.subi %sign3A_174, %sign3A_177 : i32
      %ne3A = arith.cmpi ne, %sign3A_171, %sign3A_178 : i32
      %rem3A = arith.remsi %reduce_max3A_163, %jit3A : i32
      %ne3A_179 = arith.constant 0 : i32
      %ne3A_180 = arith.cmpi ne, %rem3A, %ne3A_179 : i32
      %and3A = arith.andi %ne3A, %ne3A_180 : i1
      %sub3A = arith.constant 1 : i32
      %sub3A_181 = arith.subi %div3A, %sub3A : i32
      %select_n3A = arith.select %and3A, %sub3A_181, %div3A : i32
      %add3A_182 = arith.constant 1 : i32
      %add3A_183 = arith.addi %select_n3A, %add3A_182 : i32
      %broadcast_in_dim3A_184 = arith.constant 0 : i32
      %broadcast_in_dim3A_185 = vector.broadcast %broadcast_in_dim3A_184 : i32 to vector<16xi32>
      %swap3A = arith.constant 0 : index
      %swap3A_186 = tpu.vector_load %arg16[%swap3A] {strides = array<i32>} : memref<128xi32, #tpu.memory_space<vmem>>, vector<16xi32>,
      tpu.vector_store %arg16[%swap3A], %broadcast_in_dim3A_185 {strides = array<i32>} : memref<128xi32, #tpu.memory_space<vmem>>, vector<16xi32>,
      %scan3A_187 = arith.constant 0 : i32
      %scan3A_188 = arith.constant 0 : i32
      %scan3A_189 = arith.constant 12 : i32
      %scan3A_190 = arith.addi %scan3A_188, %scan3A_189 : i32
      %scan3A_191 = arith.constant 1 : i32
      scf.for %scan3A_367 = %scan3A_188 to %scan3A_190 step %scan3A_191  : i32 {
        %broadcast_in_dim3A_368 = arith.constant 1073741824 : i32
        %broadcast_in_dim3A_369 = vector.broadcast %broadcast_in_dim3A_368 : i32 to vector<16xi32>
        %parallel_loop3A_370 = arith.constant 0 : i32
        %parallel_loop3A_371 = arith.constant 1 : i32
        %parallel_loop3A_372:3 = scf.for %parallel_loop3A_406 = %parallel_loop3A_370 to %add3A_183 step %parallel_loop3A_371 iter_args(%parallel_loop3A_407 = %broadcast_in_dim3A_6, %parallel_loop3A_408 = %broadcast_in_dim3A_369, %parallel_loop3A_409 = %broadcast_in_dim3A_369) -> (vector<16xf32>, vector<16xi32>, vector<16xi32>)  : i32 {
          %parallel_loop3A_410 = arith.constant 16 : i32
          %parallel_loop3A_411 = arith.muli %parallel_loop3A_406, %parallel_loop3A_410 : i32
          %parallel_loop3A_412 = arith.index_cast %parallel_loop3A_411 : i32 to index
          %parallel_loop3A_413 = tpu.vector_load %arg14[%parallel_loop3A_412] {strides = array<i32>} : memref<8320xf32, #tpu.memory_space<vmem>>, vector<16xf32>,
          %parallel_loop3A_414 = arith.constant 16 : i32
          %parallel_loop3A_415 = arith.muli %parallel_loop3A_406, %parallel_loop3A_414 : i32
          %parallel_loop3A_416 = arith.index_cast %parallel_loop3A_415 : i32 to index
          %parallel_loop3A_417 = tpu.vector_load %arg15[%parallel_loop3A_416] {strides = array<i32>} : memref<8320xi32, #tpu.memory_space<vmem>>, vector<16xi32>,
          %parallel_loop3A_418 = arith.constant 16 : i32
          %parallel_loop3A_419 = arith.muli %parallel_loop3A_406, %parallel_loop3A_418 : i32
          %parallel_loop3A_420 = vector.broadcast %parallel_loop3A_419 : i32 to vector<16xi32>
          %parallel_loop3A_421 = arith.addi %parallel_loop3A_420, %iota3A : vector<16xi32>
          %parallel_loop3A_422 = arith.cmpf olt, %parallel_loop3A_413, %parallel_loop3A_407 : vector<16xf32>
          %parallel_loop3A_423 = arith.cmpf oeq, %parallel_loop3A_413, %parallel_loop3A_407 : vector<16xf32>
          %parallel_loop3A_424 = arith.cmpi slt, %parallel_loop3A_417, %parallel_loop3A_408 : vector<16xi32>
          %parallel_loop3A_425 = arith.andi %parallel_loop3A_423, %parallel_loop3A_424 : vector<16xi1>
          %parallel_loop3A_426 = arith.ori %parallel_loop3A_422, %parallel_loop3A_425 : vector<16xi1>
          %parallel_loop3A_427 = arith.select %parallel_loop3A_426, %parallel_loop3A_413, %parallel_loop3A_407 : vector<16xi1>, vector<16xf32>
          %parallel_loop3A_428 = arith.select %parallel_loop3A_426, %parallel_loop3A_417, %parallel_loop3A_408 : vector<16xi1>, vector<16xi32>
          %parallel_loop3A_429 = arith.select %parallel_loop3A_426, %parallel_loop3A_421, %parallel_loop3A_409 : vector<16xi1>, vector<16xi32>
          scf.yield %parallel_loop3A_427, %parallel_loop3A_428, %parallel_loop3A_429 : vector<16xf32>, vector<16xi32>, vector<16xi32>
        } {sc.loop_unroll_factor = 1 : i64, sc.parallel_access}
        %reduce_min3A = arith.constant true
        %reduce_min3A_373 = vector.broadcast %reduce_min3A : i1 to vector<16xi1>
        %reduce_min3A_374 = tpu.scan <min>, %parallel_loop3A_372#0 masked %reduce_min3A_373 : vector<16xf32>, vector<16xi1> -> vector<16xf32>
        %reduce_min3A_375 = vector.extract %reduce_min3A_374[15] : f32 from vector<16xf32>
        %eq3A_376 = vector.broadcast %reduce_min3A_375 : f32 to vector<16xf32>
        %eq3A_377 = arith.cmpf oeq, %parallel_loop3A_372#0, %eq3A_376 : vector<16xf32>
        %select_n3A_378 = arith.select %eq3A_377, %parallel_loop3A_372#1, %broadcast_in_dim3A_369 : vector<16xi1>, vector<16xi32>
        %reduce_min3A_379 = arith.constant true
        %reduce_min3A_380 = vector.broadcast %reduce_min3A_379 : i1 to vector<16xi1>
        %reduce_min3A_381 = arith.constant -2147483648 : i32
        %reduce_min3A_382 = vector.broadcast %reduce_min3A_381 : i32 to vector<16xi32>
        %reduce_min3A_383 = arith.xori %select_n3A_378, %reduce_min3A_382 : vector<16xi32>
        %reduce_min3A_384 = tpu.scan <min>, %reduce_min3A_383 masked %reduce_min3A_380 : vector<16xi32>, vector<16xi1> -> vector<16xi32>
        %reduce_min3A_385 = arith.xori %reduce_min3A_384, %reduce_min3A_382 : vector<16xi32>
        %reduce_min3A_386 = vector.extract %reduce_min3A_385[15] : i32 from vector<16xi32>
        %eq3A_387 = vector.broadcast %reduce_min3A_386 : i32 to vector<16xi32>
        %eq3A_388 = arith.cmpi eq, %parallel_loop3A_372#1, %eq3A_387 : vector<16xi32>
        %and3A_389 = arith.andi %eq3A_377, %eq3A_388 : vector<16xi1>
        %select_n3A_390 = arith.select %and3A_389, %parallel_loop3A_372#2, %broadcast_in_dim3A_369 : vector<16xi1>, vector<16xi32>
        %reduce_min3A_391 = arith.constant true
        %reduce_min3A_392 = vector.broadcast %reduce_min3A_391 : i1 to vector<16xi1>
        %reduce_min3A_393 = arith.constant -2147483648 : i32
        %reduce_min3A_394 = vector.broadcast %reduce_min3A_393 : i32 to vector<16xi32>
        %reduce_min3A_395 = arith.xori %select_n3A_390, %reduce_min3A_394 : vector<16xi32>
        %reduce_min3A_396 = tpu.scan <min>, %reduce_min3A_395 masked %reduce_min3A_392 : vector<16xi32>, vector<16xi1> -> vector<16xi32>
        %reduce_min3A_397 = arith.xori %reduce_min3A_396, %reduce_min3A_394 : vector<16xi32>
        %reduce_min3A_398 = vector.extract %reduce_min3A_397[15] : i32 from vector<16xi32>
        %broadcast_in_dim3A_399 = vector.broadcast %reduce_min3A_386 : i32 to vector<16xi32>
        %eq3A_400 = vector.broadcast %scan3A_367 : i32 to vector<16xi32>
        %eq3A_401 = arith.cmpi eq, %iota3A, %eq3A_400 : vector<16xi32>
        tpu.vector_store_idx %arg16[%iota3A], %broadcast_in_dim3A_399 masked %eq3A_401 : memref<128xi32, #tpu.memory_space<vmem>>[vector<16xi32>], vector<16xi32>, vector<16xi1>
        %broadcast_in_dim3A_402 = vector.broadcast %reduce_min3A_398 : i32 to vector<16xi32>
        %eq3A_403 = arith.constant 0 : i32
        %eq3A_404 = vector.broadcast %eq3A_403 : i32 to vector<16xi32>
        %eq3A_405 = arith.cmpi eq, %iota3A, %eq3A_404 : vector<16xi32>
        tpu.vector_store_idx %arg14[%broadcast_in_dim3A_402], %broadcast_in_dim3A_6 masked %eq3A_405 : memref<8320xf32, #tpu.memory_space<vmem>>[vector<16xi32>], vector<16xf32>, vector<16xi1>
      }
      %scan3A_192 = arith.constant 12 : i32
      %get3A = arith.constant 0 : index
      %get3A_193 = tpu.vector_load %arg16[%get3A] {strides = array<i32>} : memref<128xi32, #tpu.memory_space<vmem>>, vector<16xi32>,
      %gather3A_194 = tpu.vector_load_idx %arg5[%get3A_193] : memref<8192xf32, #tpu.memory_space<vmem>>[vector<16xi32>], vector<16xf32>,
      %sub3A_195 = arith.subf %gather3A_194, %gather3A : vector<16xf32>
      %gather3A_196 = tpu.vector_load_idx %arg6[%get3A_193] : memref<8192xf32, #tpu.memory_space<vmem>>[vector<16xi32>], vector<16xf32>,
      %sub3A_197 = arith.subf %gather3A_196, %gather3A_124 : vector<16xf32>
      %gather3A_198 = tpu.vector_load_idx %arg7[%get3A_193] : memref<8192xf32, #tpu.memory_space<vmem>>[vector<16xi32>], vector<16xf32>,
      %sub3A_199 = arith.subf %gather3A_198, %gather3A_128 : vector<16xf32>
      %mul3A_200 = arith.constant 48 : i32
      %mul3A_201 = arith.muli %mul3A_71, %mul3A_200 : i32
      %add3A_202 = vector.broadcast %mul3A_201 : i32 to vector<16xi32>
      %add3A_203 = arith.addi %add3A_202, %mul3A_5 : vector<16xi32>
      tpu.vector_store_idx %arg17[%add3A_203], %sub3A_195 masked %lt3A_10 : memref<1536xf32, #tpu.memory_space<vmem>>[vector<16xi32>], vector<16xf32>, vector<16xi1>
      %add3A_204 = arith.constant 1 : i32
      %add3A_205 = vector.broadcast %add3A_204 : i32 to vector<16xi32>
      %add3A_206 = arith.addi %add3A_203, %add3A_205 : vector<16xi32>
      tpu.vector_store_idx %arg17[%add3A_206], %sub3A_197 masked %lt3A_10 : memref<1536xf32, #tpu.memory_space<vmem>>[vector<16xi32>], vector<16xf32>, vector<16xi1>
      %add3A_207 = arith.constant 2 : i32
      %add3A_208 = vector.broadcast %add3A_207 : i32 to vector<16xi32>
      %add3A_209 = arith.addi %add3A_203, %add3A_208 : vector<16xi32>
      tpu.vector_store_idx %arg17[%add3A_209], %sub3A_199 masked %lt3A_10 : memref<1536xf32, #tpu.memory_space<vmem>>[vector<16xi32>], vector<16xf32>, vector<16xi1>
      %mul3A_210 = arith.constant 2 : i32
      %mul3A_211 = arith.muli %mul3A_210, %scan3A_69 : i32
      %add3A_212 = arith.constant 1 : i32
      %add3A_213 = arith.addi %mul3A_211, %add3A_212 : i32
      %add3A_214 = arith.addi %mul3A_2, %add3A_213 : i32
      %add3A_215 = arith.constant 1 : i32
      %add3A_216 = arith.addi %add3A_214, %add3A_215 : i32
      %min3A_217 = arith.constant 1023 : i32
      %min3A_218 = arith.minsi %add3A_216, %min3A_217 : i32
      %dma_start3A_219 = arith.constant 0 : i32
      %dma_start3A_220 = arith.constant 0 : i32
      %dma_start3A_221 = tpu.memref_slice %arg2[%dma_start3A_219, %min3A_218, %dma_start3A_220] : memref<3x1024x8192xf32, #tpu.memory_space<hbm>> -> memref<1x1x8192xf32, #tpu.memory_space<hbm>>
      %dma_start3A_222 = tpu.memref_squeeze %dma_start3A_221 : memref<1x1x8192xf32, #tpu.memory_space<hbm>> -> memref<8192xf32, #tpu.memory_space<hbm>>
      %dma_start3A_223 = arith.constant 0 : i32
      %dma_start3A_224 = tpu.memref_slice %arg2[%dma_start3A_219, %min3A_218, %dma_start3A_223] : memref<3x1024x8192xf32, #tpu.memory_space<hbm>> -> memref<1x1x8192xf32, #tpu.memory_space<hbm>>
      %dma_start3A_225 = tpu.memref_squeeze %dma_start3A_224 : memref<1x1x8192xf32, #tpu.memory_space<hbm>> -> memref<8192xf32, #tpu.memory_space<hbm>>
      tpu.enqueue_dma source(%dma_start3A_225 : memref<8192xf32, #tpu.memory_space<hbm>>) target(%arg5 : memref<8192xf32, #tpu.memory_space<vmem>>) target_semaphore(%arg18 : memref<!tpu.dma_semaphore, #tpu.memory_space<semaphore_mem>>)
      %dma_start3A_226 = arith.constant 1 : i32
      %dma_start3A_227 = arith.constant 0 : i32
      %dma_start3A_228 = tpu.memref_slice %arg2[%dma_start3A_226, %min3A_218, %dma_start3A_227] : memref<3x1024x8192xf32, #tpu.memory_space<hbm>> -> memref<1x1x8192xf32, #tpu.memory_space<hbm>>
      %dma_start3A_229 = tpu.memref_squeeze %dma_start3A_228 : memref<1x1x8192xf32, #tpu.memory_space<hbm>> -> memref<8192xf32, #tpu.memory_space<hbm>>
      %dma_start3A_230 = arith.constant 0 : i32
      %dma_start3A_231 = tpu.memref_slice %arg2[%dma_start3A_226, %min3A_218, %dma_start3A_230] : memref<3x1024x8192xf32, #tpu.memory_space<hbm>> -> memref<1x1x8192xf32, #tpu.memory_space<hbm>>
      %dma_start3A_232 = tpu.memref_squeeze %dma_start3A_231 : memref<1x1x8192xf32, #tpu.memory_space<hbm>> -> memref<8192xf32, #tpu.memory_space<hbm>>
      tpu.enqueue_dma source(%dma_start3A_232 : memref<8192xf32, #tpu.memory_space<hbm>>) target(%arg6 : memref<8192xf32, #tpu.memory_space<vmem>>) target_semaphore(%arg18 : memref<!tpu.dma_semaphore, #tpu.memory_space<semaphore_mem>>)
      %dma_start3A_233 = arith.constant 2 : i32
      %dma_start3A_234 = arith.constant 0 : i32
      %dma_start3A_235 = tpu.memref_slice %arg2[%dma_start3A_233, %min3A_218, %dma_start3A_234] : memref<3x1024x8192xf32, #tpu.memory_space<hbm>> -> memref<1x1x8192xf32, #tpu.memory_space<hbm>>
      %dma_start3A_236 = tpu.memref_squeeze %dma_start3A_235 : memref<1x1x8192xf32, #tpu.memory_space<hbm>> -> memref<8192xf32, #tpu.memory_space<hbm>>
      %dma_start3A_237 = arith.constant 0 : i32
      %dma_start3A_238 = tpu.memref_slice %arg2[%dma_start3A_233, %min3A_218, %dma_start3A_237] : memref<3x1024x8192xf32, #tpu.memory_space<hbm>> -> memref<1x1x8192xf32, #tpu.memory_space<hbm>>
      %dma_start3A_239 = tpu.memref_squeeze %dma_start3A_238 : memref<1x1x8192xf32, #tpu.memory_space<hbm>> -> memref<8192xf32, #tpu.memory_space<hbm>>
      tpu.enqueue_dma source(%dma_start3A_239 : memref<8192xf32, #tpu.memory_space<hbm>>) target(%arg7 : memref<8192xf32, #tpu.memory_space<vmem>>) target_semaphore(%arg18 : memref<!tpu.dma_semaphore, #tpu.memory_space<semaphore_mem>>)
      %dma_wait3A_240 = arith.constant 0 : i32
      %dma_wait3A_241 = arith.constant 0 : i32
      %dma_wait3A_242 = tpu.memref_slice %arg2[%dma_wait3A_240, %add3A_214, %dma_wait3A_241] : memref<3x1024x8192xf32, #tpu.memory_space<hbm>> -> memref<1x1x8192xf32, #tpu.memory_space<hbm>>
      %dma_wait3A_243 = tpu.memref_squeeze %dma_wait3A_242 : memref<1x1x8192xf32, #tpu.memory_space<hbm>> -> memref<8192xf32, #tpu.memory_space<hbm>>
      %dma_wait3A_244 = arith.constant 0 : i32
      %dma_wait3A_245 = tpu.memref_slice %arg2[%dma_wait3A_240, %add3A_214, %dma_wait3A_244] : memref<3x1024x8192xf32, #tpu.memory_space<hbm>> -> memref<1x1x8192xf32, #tpu.memory_space<hbm>>
      %dma_wait3A_246 = tpu.memref_squeeze %dma_wait3A_245 : memref<1x1x8192xf32, #tpu.memory_space<hbm>> -> memref<8192xf32, #tpu.memory_space<hbm>>
      tpu.wait_dma2 semaphore(%arg19 : memref<!tpu.dma_semaphore, #tpu.memory_space<semaphore_mem>>) src(%dma_wait3A_246 : memref<8192xf32, #tpu.memory_space<hbm>>) dst(%arg8 : memref<8192xf32, #tpu.memory_space<vmem>>)
      %dma_wait3A_247 = arith.constant 1 : i32
      %dma_wait3A_248 = arith.constant 0 : i32
      %dma_wait3A_249 = tpu.memref_slice %arg2[%dma_wait3A_247, %add3A_214, %dma_wait3A_248] : memref<3x1024x8192xf32, #tpu.memory_space<hbm>> -> memref<1x1x8192xf32, #tpu.memory_space<hbm>>
      %dma_wait3A_250 = tpu.memref_squeeze %dma_wait3A_249 : memref<1x1x8192xf32, #tpu.memory_space<hbm>> -> memref<8192xf32, #tpu.memory_space<hbm>>
      %dma_wait3A_251 = arith.constant 0 : i32
      %dma_wait3A_252 = tpu.memref_slice %arg2[%dma_wait3A_247, %add3A_214, %dma_wait3A_251] : memref<3x1024x8192xf32, #tpu.memory_space<hbm>> -> memref<1x1x8192xf32, #tpu.memory_space<hbm>>
      %dma_wait3A_253 = tpu.memref_squeeze %dma_wait3A_252 : memref<1x1x8192xf32, #tpu.memory_space<hbm>> -> memref<8192xf32, #tpu.memory_space<hbm>>
      tpu.wait_dma2 semaphore(%arg19 : memref<!tpu.dma_semaphore, #tpu.memory_space<semaphore_mem>>) src(%dma_wait3A_253 : memref<8192xf32, #tpu.memory_space<hbm>>) dst(%arg9 : memref<8192xf32, #tpu.memory_space<vmem>>)
      %dma_wait3A_254 = arith.constant 2 : i32
      %dma_wait3A_255 = arith.constant 0 : i32
      %dma_wait3A_256 = tpu.memref_slice %arg2[%dma_wait3A_254, %add3A_214, %dma_wait3A_255] : memref<3x1024x8192xf32, #tpu.memory_space<hbm>> -> memref<1x1x8192xf32, #tpu.memory_space<hbm>>
      %dma_wait3A_257 = tpu.memref_squeeze %dma_wait3A_256 : memref<1x1x8192xf32, #tpu.memory_space<hbm>> -> memref<8192xf32, #tpu.memory_space<hbm>>
      %dma_wait3A_258 = arith.constant 0 : i32
      %dma_wait3A_259 = tpu.memref_slice %arg2[%dma_wait3A_254, %add3A_214, %dma_wait3A_258] : memref<3x1024x8192xf32, #tpu.memory_space<hbm>> -> memref<1x1x8192xf32, #tpu.memory_space<hbm>>
      %dma_wait3A_260 = tpu.memref_squeeze %dma_wait3A_259 : memref<1x1x8192xf32, #tpu.memory_space<hbm>> -> memref<8192xf32, #tpu.memory_space<hbm>>
      tpu.wait_dma2 semaphore(%arg19 : memref<!tpu.dma_semaphore, #tpu.memory_space<semaphore_mem>>) src(%dma_wait3A_260 : memref<8192xf32, #tpu.memory_space<hbm>>) dst(%arg10 : memref<8192xf32, #tpu.memory_space<vmem>>)
      %mul3A_261 = arith.constant 3 : i32
      %mul3A_262 = arith.muli %add3A_213, %mul3A_261 : i32
      %broadcast_in_dim3A_263 = vector.broadcast %mul3A_262 : i32 to vector<16xi32>
      %gather3A_264 = tpu.vector_load_idx %arg11[%broadcast_in_dim3A_263] : memref<128xf32, #tpu.memory_space<vmem>>[vector<16xi32>], vector<16xf32>,
      %add3A_265 = arith.constant 1 : i32
      %add3A_266 = arith.addi %mul3A_262, %add3A_265 : i32
      %broadcast_in_dim3A_267 = vector.broadcast %add3A_266 : i32 to vector<16xi32>
      %gather3A_268 = tpu.vector_load_idx %arg11[%broadcast_in_dim3A_267] : memref<128xf32, #tpu.memory_space<vmem>>[vector<16xi32>], vector<16xf32>,
      %add3A_269 = arith.constant 2 : i32
      %add3A_270 = arith.addi %mul3A_262, %add3A_269 : i32
      %broadcast_in_dim3A_271 = vector.broadcast %add3A_270 : i32 to vector<16xi32>
      %gather3A_272 = tpu.vector_load_idx %arg11[%broadcast_in_dim3A_271] : memref<128xf32, #tpu.memory_space<vmem>>[vector<16xi32>], vector<16xf32>,
      %parallel_loop3A_273 = arith.constant 0 : i32
      %parallel_loop3A_274 = arith.constant 512 : i32
      %parallel_loop3A_275 = arith.constant 1 : i32
      %parallel_loop3A_276 = scf.for %parallel_loop3A_367 = %parallel_loop3A_273 to %parallel_loop3A_274 step %parallel_loop3A_275 iter_args(%parallel_loop3A_368 = %broadcast_in_dim3A_6) -> (vector<16xf32>)  : i32 {
        %parallel_loop3A_369 = arith.constant 16 : i32
        %parallel_loop3A_370 = arith.muli %parallel_loop3A_367, %parallel_loop3A_369 : i32
        %parallel_loop3A_371 = arith.index_cast %parallel_loop3A_370 : i32 to index
        %parallel_loop3A_372 = tpu.vector_load %arg8[%parallel_loop3A_371] {strides = array<i32>} : memref<8192xf32, #tpu.memory_space<vmem>>, vector<16xf32>,
        %parallel_loop3A_373 = arith.subf %parallel_loop3A_372, %gather3A_264 : vector<16xf32>
        %parallel_loop3A_374 = arith.index_cast %parallel_loop3A_370 : i32 to index
        %parallel_loop3A_375 = tpu.vector_load %arg9[%parallel_loop3A_374] {strides = array<i32>} : memref<8192xf32, #tpu.memory_space<vmem>>, vector<16xf32>,
        %parallel_loop3A_376 = arith.subf %parallel_loop3A_375, %gather3A_268 : vector<16xf32>
        %parallel_loop3A_377 = arith.index_cast %parallel_loop3A_370 : i32 to index
        %parallel_loop3A_378 = tpu.vector_load %arg10[%parallel_loop3A_377] {strides = array<i32>} : memref<8192xf32, #tpu.memory_space<vmem>>, vector<16xf32>,
        %parallel_loop3A_379 = arith.subf %parallel_loop3A_378, %gather3A_272 : vector<16xf32>
        %parallel_loop3A_380 = arith.mulf %parallel_loop3A_373, %parallel_loop3A_373 : vector<16xf32>
        %parallel_loop3A_381 = arith.mulf %parallel_loop3A_376, %parallel_loop3A_376 : vector<16xf32>
        %parallel_loop3A_382 = arith.addf %parallel_loop3A_380, %parallel_loop3A_381 : vector<16xf32>
        %parallel_loop3A_383 = arith.mulf %parallel_loop3A_379, %parallel_loop3A_379 : vector<16xf32>
        %parallel_loop3A_384 = arith.addf %parallel_loop3A_382, %parallel_loop3A_383 : vector<16xf32>
        %parallel_loop3A_385 = arith.index_cast %parallel_loop3A_370 : i32 to index
        %parallel_loop3A_386 = tpu.vector_load %arg12[%parallel_loop3A_385] {strides = array<i32>} : memref<8192xf32, #tpu.memory_space<vmem>>, vector<16xf32>,
        tpu.vector_store %arg12[%parallel_loop3A_385], %parallel_loop3A_384 {strides = array<i32>} : memref<8192xf32, #tpu.memory_space<vmem>>, vector<16xf32>,
        %parallel_loop3A_387 = arith.minimumf %parallel_loop3A_368, %parallel_loop3A_384 : vector<16xf32>
        scf.yield %parallel_loop3A_387 : vector<16xf32>
      } {sc.loop_unroll_factor = 8 : i64, sc.parallel_access}
      %reduce_max3A_277 = arith.constant true
      %reduce_max3A_278 = vector.broadcast %reduce_max3A_277 : i1 to vector<16xi1>
      %reduce_max3A_279 = tpu.scan <max>, %parallel_loop3A_276 masked %reduce_max3A_278 : vector<16xf32>, vector<16xi1> -> vector<16xf32>
      %reduce_max3A_280 = vector.extract %reduce_max3A_279[15] : f32 from vector<16xf32>
      %eq3A_281 = arith.constant 0 : i32
      %eq3A_282 = vector.broadcast %eq3A_281 : i32 to vector<16xi32>
      %eq3A_283 = arith.cmpi eq, %iota3A, %eq3A_282 : vector<16xi32>
      %broadcast_in_dim3A_284 = arith.constant 0 : i32
      %broadcast_in_dim3A_285 = vector.broadcast %broadcast_in_dim3A_284 : i32 to vector<16xi32>
      %parallel_loop3A_286 = arith.constant 0 : i32
      %parallel_loop3A_287 = arith.constant 512 : i32
      %parallel_loop3A_288 = arith.constant 1 : i32
      %parallel_loop3A_289 = scf.for %parallel_loop3A_367 = %parallel_loop3A_286 to %parallel_loop3A_287 step %parallel_loop3A_288 iter_args(%parallel_loop3A_368 = %broadcast_in_dim3A_285) -> (vector<16xi32>)  : i32 {
        %parallel_loop3A_369 = arith.constant 16 : i32
        %parallel_loop3A_370 = arith.muli %parallel_loop3A_367, %parallel_loop3A_369 : i32
        %parallel_loop3A_371 = arith.index_cast %parallel_loop3A_370 : i32 to index
        %parallel_loop3A_372 = tpu.vector_load %arg12[%parallel_loop3A_371] {strides = array<i32>} : memref<8192xf32, #tpu.memory_space<vmem>>, vector<16xf32>,
        %parallel_loop3A_373 = vector.broadcast %reduce_max3A_280 : f32 to vector<16xf32>
        %parallel_loop3A_374 = arith.cmpf ole, %parallel_loop3A_372, %parallel_loop3A_373 : vector<16xf32>
        %parallel_loop3A_375 = tpu.all_reduce %parallel_loop3A_374 {dim = 0 : i64, kind = #tpu.reduction_kind<sum>} : vector<16xi1> -> vector<16xi32>
        %parallel_loop3A_376 = arith.constant 0 : i32
        %parallel_loop3A_377 = vector.broadcast %parallel_loop3A_376 : i32 to vector<16xi32>
        %parallel_loop3A_378 = arith.cmpi sgt, %parallel_loop3A_375, %parallel_loop3A_377 : vector<16xi32>
        %parallel_loop3A_379 = vector.broadcast %parallel_loop3A_367 : i32 to vector<16xi32>
        %parallel_loop3A_380 = arith.andi %eq3A_283, %parallel_loop3A_378 : vector<16xi1>
        tpu.vector_store_idx %arg13[%parallel_loop3A_368], %parallel_loop3A_379 masked %parallel_loop3A_380 : memref<1024xi32, #tpu.memory_space<vmem>>[vector<16xi32>], vector<16xi32>, vector<16xi1>
        %parallel_loop3A_381 = arith.constant 1 : i32
        %parallel_loop3A_382 = arith.constant 0 : i32
        %parallel_loop3A_383 = vector.broadcast %parallel_loop3A_381 : i32 to vector<16xi32>
        %parallel_loop3A_384 = vector.broadcast %parallel_loop3A_382 : i32 to vector<16xi32>
        %parallel_loop3A_385 = arith.select %parallel_loop3A_378, %parallel_loop3A_383, %parallel_loop3A_384 : vector<16xi1>, vector<16xi32>
        %parallel_loop3A_386 = arith.addi %parallel_loop3A_368, %parallel_loop3A_385 : vector<16xi32>
        scf.yield %parallel_loop3A_386 : vector<16xi32>
      } {sc.loop_unroll_factor = 8 : i64, sc.parallel_access}
      %reduce_max3A_290 = arith.constant true
      %reduce_max3A_291 = vector.broadcast %reduce_max3A_290 : i1 to vector<16xi1>
      %reduce_max3A_292 = arith.constant -2147483648 : i32
      %reduce_max3A_293 = vector.broadcast %reduce_max3A_292 : i32 to vector<16xi32>
      %reduce_max3A_294 = arith.xori %parallel_loop3A_289, %reduce_max3A_293 : vector<16xi32>
      %reduce_max3A_295 = tpu.scan <max>, %reduce_max3A_294 masked %reduce_max3A_291 : vector<16xi32>, vector<16xi1> -> vector<16xi32>
      %reduce_max3A_296 = arith.xori %reduce_max3A_295, %reduce_max3A_293 : vector<16xi32>
      %reduce_max3A_297 = vector.extract %reduce_max3A_296[15] : i32 from vector<16xi32>
      %broadcast_in_dim3A_298 = arith.constant 0 : i32
      %broadcast_in_dim3A_299 = vector.broadcast %broadcast_in_dim3A_298 : i32 to vector<16xi32>
      %parallel_loop3A_300 = arith.constant 0 : i32
      %parallel_loop3A_301 = arith.constant 1 : i32
      %parallel_loop3A_302 = scf.for %parallel_loop3A_367 = %parallel_loop3A_300 to %reduce_max3A_297 step %parallel_loop3A_301 iter_args(%parallel_loop3A_368 = %broadcast_in_dim3A_299) -> (vector<16xi32>)  : i32 {
        %parallel_loop3A_369 = vector.broadcast %parallel_loop3A_367 : i32 to vector<16xi32>
        %parallel_loop3A_370 = tpu.vector_load_idx %arg13[%parallel_loop3A_369] : memref<1024xi32, #tpu.memory_space<vmem>>[vector<16xi32>], vector<16xi32>,
        %parallel_loop3A_371 = arith.constant 16 : i32
        %parallel_loop3A_372 = vector.broadcast %parallel_loop3A_371 : i32 to vector<16xi32>
        %parallel_loop3A_373 = arith.muli %parallel_loop3A_370, %parallel_loop3A_372 : vector<16xi32>
        %parallel_loop3A_374 = arith.addi %parallel_loop3A_373, %iota3A : vector<16xi32>
        %parallel_loop3A_375 = tpu.vector_load_idx %arg12[%parallel_loop3A_374] : memref<8192xf32, #tpu.memory_space<vmem>>[vector<16xi32>], vector<16xf32>,
        %parallel_loop3A_376 = vector.broadcast %reduce_max3A_280 : f32 to vector<16xf32>
        %parallel_loop3A_377 = arith.cmpf ole, %parallel_loop3A_375, %parallel_loop3A_376 : vector<16xf32>
        %parallel_loop3A_378 = arith.constant 1 : i32
        %parallel_loop3A_379 = arith.constant 0 : i32
        %parallel_loop3A_380 = vector.broadcast %parallel_loop3A_378 : i32 to vector<16xi32>
        %parallel_loop3A_381 = vector.broadcast %parallel_loop3A_379 : i32 to vector<16xi32>
        %parallel_loop3A_382 = arith.select %parallel_loop3A_377, %parallel_loop3A_380, %parallel_loop3A_381 : vector<16xi1>, vector<16xi32>
        %parallel_loop3A_383 = arith.constant true
        %parallel_loop3A_384 = vector.broadcast %parallel_loop3A_383 : i1 to vector<16xi1>
        %parallel_loop3A_385 = tpu.scan <sum>, %parallel_loop3A_382 masked %parallel_loop3A_384 : vector<16xi32>, vector<16xi1> -> vector<16xi32>
        %parallel_loop3A_386 = arith.addi %parallel_loop3A_368, %parallel_loop3A_385 : vector<16xi32>
        %parallel_loop3A_387 = arith.constant 1 : i32
        %parallel_loop3A_388 = vector.broadcast %parallel_loop3A_387 : i32 to vector<16xi32>
        %parallel_loop3A_389 = arith.subi %parallel_loop3A_386, %parallel_loop3A_388 : vector<16xi32>
        tpu.vector_store_idx %arg14[%parallel_loop3A_389], %parallel_loop3A_375 masked %parallel_loop3A_377 : memref<8320xf32, #tpu.memory_space<vmem>>[vector<16xi32>], vector<16xf32>, vector<16xi1>
        tpu.vector_store_idx %arg15[%parallel_loop3A_389], %parallel_loop3A_374 masked %parallel_loop3A_377 : memref<8320xi32, #tpu.memory_space<vmem>>[vector<16xi32>], vector<16xi32>, vector<16xi1>
        %parallel_loop3A_390 = tpu.all_reduce %parallel_loop3A_377 {dim = 0 : i64, kind = #tpu.reduction_kind<sum>} : vector<16xi1> -> vector<16xi32>
        %parallel_loop3A_391 = arith.addi %parallel_loop3A_368, %parallel_loop3A_390 : vector<16xi32>
        scf.yield %parallel_loop3A_391 : vector<16xi32>
      } {sc.loop_unroll_factor = 1 : i64, sc.parallel_access}
      %reduce_max3A_303 = arith.constant true
      %reduce_max3A_304 = vector.broadcast %reduce_max3A_303 : i1 to vector<16xi1>
      %reduce_max3A_305 = arith.constant -2147483648 : i32
      %reduce_max3A_306 = vector.broadcast %reduce_max3A_305 : i32 to vector<16xi32>
      %reduce_max3A_307 = arith.xori %parallel_loop3A_302, %reduce_max3A_306 : vector<16xi32>
      %reduce_max3A_308 = tpu.scan <max>, %reduce_max3A_307 masked %reduce_max3A_304 : vector<16xi32>, vector<16xi1> -> vector<16xi32>
      %reduce_max3A_309 = arith.xori %reduce_max3A_308, %reduce_max3A_306 : vector<16xi32>
      %reduce_max3A_310 = vector.extract %reduce_max3A_309[15] : i32 from vector<16xi32>
      %add3A_311 = vector.broadcast %reduce_max3A_310 : i32 to vector<16xi32>
      %add3A_312 = arith.addi %add3A_311, %iota3A : vector<16xi32>
      tpu.vector_store_idx %arg14[%add3A_312], %broadcast_in_dim3A_6 : memref<8320xf32, #tpu.memory_space<vmem>>[vector<16xi32>], vector<16xf32>,
      %jit3A_313 = arith.constant 16 : i32
      %div3A_314 = arith.divsi %reduce_max3A_310, %jit3A_313 : i32
      %sign3A_315 = arith.constant 0 : i32
      %sign3A_316 = arith.cmpi sgt, %reduce_max3A_310, %sign3A_315 : i32
      %sign3A_317 = arith.extui %sign3A_316 : i1 to i32
      %sign3A_318 = arith.constant 0 : i32
      %sign3A_319 = arith.cmpi slt, %reduce_max3A_310, %sign3A_318 : i32
      %sign3A_320 = arith.extui %sign3A_319 : i1 to i32
      %sign3A_321 = arith.subi %sign3A_317, %sign3A_320 : i32
      %sign3A_322 = arith.constant 0 : i32
      %sign3A_323 = arith.cmpi sgt, %jit3A_313, %sign3A_322 : i32
      %sign3A_324 = arith.extui %sign3A_323 : i1 to i32
      %sign3A_325 = arith.constant 0 : i32
      %sign3A_326 = arith.cmpi slt, %jit3A_313, %sign3A_325 : i32
      %sign3A_327 = arith.extui %sign3A_326 : i1 to i32
      %sign3A_328 = arith.subi %sign3A_324, %sign3A_327 : i32
      %ne3A_329 = arith.cmpi ne, %sign3A_321, %sign3A_328 : i32
      %rem3A_330 = arith.remsi %reduce_max3A_310, %jit3A_313 : i32
      %ne3A_331 = arith.constant 0 : i32
      %ne3A_332 = arith.cmpi ne, %rem3A_330, %ne3A_331 : i32
      %and3A_333 = arith.andi %ne3A_329, %ne3A_332 : i1
      %sub3A_334 = arith.constant 1 : i32
      %sub3A_335 = arith.subi %div3A_314, %sub3A_334 : i32
      %select_n3A_336 = arith.select %and3A_333, %sub3A_335, %div3A_314 : i32
      %add3A_337 = arith.constant 1 : i32
      %add3A_338 = arith.addi %select_n3A_336, %add3A_337 : i32
      %broadcast_in_dim3A_339 = arith.constant 0 : i32
      %broadcast_in_dim3A_340 = vector.broadcast %broadcast_in_dim3A_339 : i32 to vector<16xi32>
      %swap3A_341 = arith.constant 0 : index
      %swap3A_342 = tpu.vector_load %arg16[%swap3A_341] {strides = array<i32>} : memref<128xi32, #tpu.memory_space<vmem>>, vector<16xi32>,
      tpu.vector_store %arg16[%swap3A_341], %broadcast_in_dim3A_340 {strides = array<i32>} : memref<128xi32, #tpu.memory_space<vmem>>, vector<16xi32>,
      %scan3A_343 = arith.constant 0 : i32
      %scan3A_344 = arith.constant 0 : i32
      %scan3A_345 = arith.constant 12 : i32
      %scan3A_346 = arith.addi %scan3A_344, %scan3A_345 : i32
      %scan3A_347 = arith.constant 1 : i32
      scf.for %scan3A_367 = %scan3A_344 to %scan3A_346 step %scan3A_347  : i32 {
        %broadcast_in_dim3A_368 = arith.constant 1073741824 : i32
        %broadcast_in_dim3A_369 = vector.broadcast %broadcast_in_dim3A_368 : i32 to vector<16xi32>
        %parallel_loop3A_370 = arith.constant 0 : i32
        %parallel_loop3A_371 = arith.constant 1 : i32
        %parallel_loop3A_372:3 = scf.for %parallel_loop3A_406 = %parallel_loop3A_370 to %add3A_338 step %parallel_loop3A_371 iter_args(%parallel_loop3A_407 = %broadcast_in_dim3A_6, %parallel_loop3A_408 = %broadcast_in_dim3A_369, %parallel_loop3A_409 = %broadcast_in_dim3A_369) -> (vector<16xf32>, vector<16xi32>, vector<16xi32>)  : i32 {
          %parallel_loop3A_410 = arith.constant 16 : i32
          %parallel_loop3A_411 = arith.muli %parallel_loop3A_406, %parallel_loop3A_410 : i32
          %parallel_loop3A_412 = arith.index_cast %parallel_loop3A_411 : i32 to index
          %parallel_loop3A_413 = tpu.vector_load %arg14[%parallel_loop3A_412] {strides = array<i32>} : memref<8320xf32, #tpu.memory_space<vmem>>, vector<16xf32>,
          %parallel_loop3A_414 = arith.constant 16 : i32
          %parallel_loop3A_415 = arith.muli %parallel_loop3A_406, %parallel_loop3A_414 : i32
          %parallel_loop3A_416 = arith.index_cast %parallel_loop3A_415 : i32 to index
          %parallel_loop3A_417 = tpu.vector_load %arg15[%parallel_loop3A_416] {strides = array<i32>} : memref<8320xi32, #tpu.memory_space<vmem>>, vector<16xi32>,
          %parallel_loop3A_418 = arith.constant 16 : i32
          %parallel_loop3A_419 = arith.muli %parallel_loop3A_406, %parallel_loop3A_418 : i32
          %parallel_loop3A_420 = vector.broadcast %parallel_loop3A_419 : i32 to vector<16xi32>
          %parallel_loop3A_421 = arith.addi %parallel_loop3A_420, %iota3A : vector<16xi32>
          %parallel_loop3A_422 = arith.cmpf olt, %parallel_loop3A_413, %parallel_loop3A_407 : vector<16xf32>
          %parallel_loop3A_423 = arith.cmpf oeq, %parallel_loop3A_413, %parallel_loop3A_407 : vector<16xf32>
          %parallel_loop3A_424 = arith.cmpi slt, %parallel_loop3A_417, %parallel_loop3A_408 : vector<16xi32>
          %parallel_loop3A_425 = arith.andi %parallel_loop3A_423, %parallel_loop3A_424 : vector<16xi1>
          %parallel_loop3A_426 = arith.ori %parallel_loop3A_422, %parallel_loop3A_425 : vector<16xi1>
          %parallel_loop3A_427 = arith.select %parallel_loop3A_426, %parallel_loop3A_413, %parallel_loop3A_407 : vector<16xi1>, vector<16xf32>
          %parallel_loop3A_428 = arith.select %parallel_loop3A_426, %parallel_loop3A_417, %parallel_loop3A_408 : vector<16xi1>, vector<16xi32>
          %parallel_loop3A_429 = arith.select %parallel_loop3A_426, %parallel_loop3A_421, %parallel_loop3A_409 : vector<16xi1>, vector<16xi32>
          scf.yield %parallel_loop3A_427, %parallel_loop3A_428, %parallel_loop3A_429 : vector<16xf32>, vector<16xi32>, vector<16xi32>
        } {sc.loop_unroll_factor = 1 : i64, sc.parallel_access}
        %reduce_min3A = arith.constant true
        %reduce_min3A_373 = vector.broadcast %reduce_min3A : i1 to vector<16xi1>
        %reduce_min3A_374 = tpu.scan <min>, %parallel_loop3A_372#0 masked %reduce_min3A_373 : vector<16xf32>, vector<16xi1> -> vector<16xf32>
        %reduce_min3A_375 = vector.extract %reduce_min3A_374[15] : f32 from vector<16xf32>
        %eq3A_376 = vector.broadcast %reduce_min3A_375 : f32 to vector<16xf32>
        %eq3A_377 = arith.cmpf oeq, %parallel_loop3A_372#0, %eq3A_376 : vector<16xf32>
        %select_n3A_378 = arith.select %eq3A_377, %parallel_loop3A_372#1, %broadcast_in_dim3A_369 : vector<16xi1>, vector<16xi32>
        %reduce_min3A_379 = arith.constant true
        %reduce_min3A_380 = vector.broadcast %reduce_min3A_379 : i1 to vector<16xi1>
        %reduce_min3A_381 = arith.constant -2147483648 : i32
        %reduce_min3A_382 = vector.broadcast %reduce_min3A_381 : i32 to vector<16xi32>
        %reduce_min3A_383 = arith.xori %select_n3A_378, %reduce_min3A_382 : vector<16xi32>
        %reduce_min3A_384 = tpu.scan <min>, %reduce_min3A_383 masked %reduce_min3A_380 : vector<16xi32>, vector<16xi1> -> vector<16xi32>
        %reduce_min3A_385 = arith.xori %reduce_min3A_384, %reduce_min3A_382 : vector<16xi32>
        %reduce_min3A_386 = vector.extract %reduce_min3A_385[15] : i32 from vector<16xi32>
        %eq3A_387 = vector.broadcast %reduce_min3A_386 : i32 to vector<16xi32>
        %eq3A_388 = arith.cmpi eq, %parallel_loop3A_372#1, %eq3A_387 : vector<16xi32>
        %and3A_389 = arith.andi %eq3A_377, %eq3A_388 : vector<16xi1>
        %select_n3A_390 = arith.select %and3A_389, %parallel_loop3A_372#2, %broadcast_in_dim3A_369 : vector<16xi1>, vector<16xi32>
        %reduce_min3A_391 = arith.constant true
        %reduce_min3A_392 = vector.broadcast %reduce_min3A_391 : i1 to vector<16xi1>
        %reduce_min3A_393 = arith.constant -2147483648 : i32
        %reduce_min3A_394 = vector.broadcast %reduce_min3A_393 : i32 to vector<16xi32>
        %reduce_min3A_395 = arith.xori %select_n3A_390, %reduce_min3A_394 : vector<16xi32>
        %reduce_min3A_396 = tpu.scan <min>, %reduce_min3A_395 masked %reduce_min3A_392 : vector<16xi32>, vector<16xi1> -> vector<16xi32>
        %reduce_min3A_397 = arith.xori %reduce_min3A_396, %reduce_min3A_394 : vector<16xi32>
        %reduce_min3A_398 = vector.extract %reduce_min3A_397[15] : i32 from vector<16xi32>
        %broadcast_in_dim3A_399 = vector.broadcast %reduce_min3A_386 : i32 to vector<16xi32>
        %eq3A_400 = vector.broadcast %scan3A_367 : i32 to vector<16xi32>
        %eq3A_401 = arith.cmpi eq, %iota3A, %eq3A_400 : vector<16xi32>
        tpu.vector_store_idx %arg16[%iota3A], %broadcast_in_dim3A_399 masked %eq3A_401 : memref<128xi32, #tpu.memory_space<vmem>>[vector<16xi32>], vector<16xi32>, vector<16xi1>
        %broadcast_in_dim3A_402 = vector.broadcast %reduce_min3A_398 : i32 to vector<16xi32>
        %eq3A_403 = arith.constant 0 : i32
        %eq3A_404 = vector.broadcast %eq3A_403 : i32 to vector<16xi32>
        %eq3A_405 = arith.cmpi eq, %iota3A, %eq3A_404 : vector<16xi32>
        tpu.vector_store_idx %arg14[%broadcast_in_dim3A_402], %broadcast_in_dim3A_6 masked %eq3A_405 : memref<8320xf32, #tpu.memory_space<vmem>>[vector<16xi32>], vector<16xf32>, vector<16xi1>
      }
      %scan3A_348 = arith.constant 12 : i32
      %get3A_349 = arith.constant 0 : index
      %get3A_350 = tpu.vector_load %arg16[%get3A_349] {strides = array<i32>} : memref<128xi32, #tpu.memory_space<vmem>>, vector<16xi32>,
      %gather3A_351 = tpu.vector_load_idx %arg8[%get3A_350] : memref<8192xf32, #tpu.memory_space<vmem>>[vector<16xi32>], vector<16xf32>,
      %sub3A_352 = arith.subf %gather3A_351, %gather3A_264 : vector<16xf32>
      %gather3A_353 = tpu.vector_load_idx %arg9[%get3A_350] : memref<8192xf32, #tpu.memory_space<vmem>>[vector<16xi32>], vector<16xf32>,
      %sub3A_354 = arith.subf %gather3A_353, %gather3A_268 : vector<16xf32>
      %gather3A_355 = tpu.vector_load_idx %arg10[%get3A_350] : memref<8192xf32, #tpu.memory_space<vmem>>[vector<16xi32>], vector<16xf32>,
      %sub3A_356 = arith.subf %gather3A_355, %gather3A_272 : vector<16xf32>
      %mul3A_357 = arith.constant 48 : i32
      %mul3A_358 = arith.muli %add3A_213, %mul3A_357 : i32
      %add3A_359 = vector.broadcast %mul3A_358 : i32 to vector<16xi32>
      %add3A_360 = arith.addi %add3A_359, %mul3A_5 : vector<16xi32>
      tpu.vector_store_idx %arg17[%add3A_360], %sub3A_352 masked %lt3A_10 : memref<1536xf32, #tpu.memory_space<vmem>>[vector<16xi32>], vector<16xf32>, vector<16xi1>
      %add3A_361 = arith.constant 1 : i32
      %add3A_362 = vector.broadcast %add3A_361 : i32 to vector<16xi32>
      %add3A_363 = arith.addi %add3A_360, %add3A_362 : vector<16xi32>
      tpu.vector_store_idx %arg17[%add3A_363], %sub3A_354 masked %lt3A_10 : memref<1536xf32, #tpu.memory_space<vmem>>[vector<16xi32>], vector<16xf32>, vector<16xi1>
      %add3A_364 = arith.constant 2 : i32
      %add3A_365 = vector.broadcast %add3A_364 : i32 to vector<16xi32>
      %add3A_366 = arith.addi %add3A_360, %add3A_365 : vector<16xi32>
      tpu.vector_store_idx %arg17[%add3A_366], %sub3A_356 masked %lt3A_10 : memref<1536xf32, #tpu.memory_space<vmem>>[vector<16xi32>], vector<16xf32>, vector<16xi1>
    }
    %scan3A_43 = arith.constant 16 : i32
    %dma_wait3A = arith.constant 0 : i32
    %dma_wait3A_44 = arith.constant 0 : i32
    %dma_wait3A_45 = arith.constant 0 : i32
    %dma_wait3A_46 = tpu.memref_slice %arg2[%dma_wait3A, %dma_wait3A_44, %dma_wait3A_45] : memref<3x1024x8192xf32, #tpu.memory_space<hbm>> -> memref<1x1x8192xf32, #tpu.memory_space<hbm>>
    %dma_wait3A_47 = tpu.memref_squeeze %dma_wait3A_46 : memref<1x1x8192xf32, #tpu.memory_space<hbm>> -> memref<8192xf32, #tpu.memory_space<hbm>>
    %dma_wait3A_48 = arith.constant 0 : i32
    %dma_wait3A_49 = tpu.memref_slice %arg2[%dma_wait3A, %dma_wait3A_44, %dma_wait3A_48] : memref<3x1024x8192xf32, #tpu.memory_space<hbm>> -> memref<1x1x8192xf32, #tpu.memory_space<hbm>>
    %dma_wait3A_50 = tpu.memref_squeeze %dma_wait3A_49 : memref<1x1x8192xf32, #tpu.memory_space<hbm>> -> memref<8192xf32, #tpu.memory_space<hbm>>
    tpu.wait_dma2 semaphore(%arg18 : memref<!tpu.dma_semaphore, #tpu.memory_space<semaphore_mem>>) src(%dma_wait3A_50 : memref<8192xf32, #tpu.memory_space<hbm>>) dst(%arg5 : memref<8192xf32, #tpu.memory_space<vmem>>)
    %dma_wait3A_51 = arith.constant 1 : i32
    %dma_wait3A_52 = arith.constant 0 : i32
    %dma_wait3A_53 = arith.constant 0 : i32
    %dma_wait3A_54 = tpu.memref_slice %arg2[%dma_wait3A_51, %dma_wait3A_52, %dma_wait3A_53] : memref<3x1024x8192xf32, #tpu.memory_space<hbm>> -> memref<1x1x8192xf32, #tpu.memory_space<hbm>>
    %dma_wait3A_55 = tpu.memref_squeeze %dma_wait3A_54 : memref<1x1x8192xf32, #tpu.memory_space<hbm>> -> memref<8192xf32, #tpu.memory_space<hbm>>
    %dma_wait3A_56 = arith.constant 0 : i32
    %dma_wait3A_57 = tpu.memref_slice %arg2[%dma_wait3A_51, %dma_wait3A_52, %dma_wait3A_56] : memref<3x1024x8192xf32, #tpu.memory_space<hbm>> -> memref<1x1x8192xf32, #tpu.memory_space<hbm>>
    %dma_wait3A_58 = tpu.memref_squeeze %dma_wait3A_57 : memref<1x1x8192xf32, #tpu.memory_space<hbm>> -> memref<8192xf32, #tpu.memory_space<hbm>>
    tpu.wait_dma2 semaphore(%arg18 : memref<!tpu.dma_semaphore, #tpu.memory_space<semaphore_mem>>) src(%dma_wait3A_58 : memref<8192xf32, #tpu.memory_space<hbm>>) dst(%arg6 : memref<8192xf32, #tpu.memory_space<vmem>>)
    %dma_wait3A_59 = arith.constant 2 : i32
    %dma_wait3A_60 = arith.constant 0 : i32
    %dma_wait3A_61 = arith.constant 0 : i32
    %dma_wait3A_62 = tpu.memref_slice %arg2[%dma_wait3A_59, %dma_wait3A_60, %dma_wait3A_61] : memref<3x1024x8192xf32, #tpu.memory_space<hbm>> -> memref<1x1x8192xf32, #tpu.memory_space<hbm>>
    %dma_wait3A_63 = tpu.memref_squeeze %dma_wait3A_62 : memref<1x1x8192xf32, #tpu.memory_space<hbm>> -> memref<8192xf32, #tpu.memory_space<hbm>>
    %dma_wait3A_64 = arith.constant 0 : i32
    %dma_wait3A_65 = tpu.memref_slice %arg2[%dma_wait3A_59, %dma_wait3A_60, %dma_wait3A_64] : memref<3x1024x8192xf32, #tpu.memory_space<hbm>> -> memref<1x1x8192xf32, #tpu.memory_space<hbm>>
    %dma_wait3A_66 = tpu.memref_squeeze %dma_wait3A_65 : memref<1x1x8192xf32, #tpu.memory_space<hbm>> -> memref<8192xf32, #tpu.memory_space<hbm>>
    tpu.wait_dma2 semaphore(%arg18 : memref<!tpu.dma_semaphore, #tpu.memory_space<semaphore_mem>>) src(%dma_wait3A_66 : memref<8192xf32, #tpu.memory_space<hbm>>) dst(%arg7 : memref<8192xf32, #tpu.memory_space<vmem>>)
    %mul3A_67 = arith.constant 48 : i32
    %mul3A_68 = arith.muli %mul3A_2, %mul3A_67 : i32
    "tpu.region"() ({
      %run_scoped3A = tpu.sem_alloc : memref<!tpu.dma_semaphore, #tpu.memory_space<semaphore_mem>>
      %dma_start3A_69 = tpu.memref_slice %arg4[%mul3A_68] : memref<49152xf32, #tpu.memory_space<hbm>> -> memref<1536xf32, #tpu.memory_space<hbm>>
      %dma_start3A_70 = tpu.memref_slice %arg4[%mul3A_68] : memref<49152xf32, #tpu.memory_space<hbm>> -> memref<1536xf32, #tpu.memory_space<hbm>>
      tpu.enqueue_dma source(%arg17 : memref<1536xf32, #tpu.memory_space<vmem>>) target(%dma_start3A_70 : memref<1536xf32, #tpu.memory_space<hbm>>) target_semaphore(%run_scoped3A : memref<!tpu.dma_semaphore, #tpu.memory_space<semaphore_mem>>)
      %dma_wait3A_71 = tpu.memref_slice %arg4[%mul3A_68] : memref<49152xf32, #tpu.memory_space<hbm>> -> memref<1536xf32, #tpu.memory_space<hbm>>
      %dma_wait3A_72 = tpu.memref_slice %arg4[%mul3A_68] : memref<49152xf32, #tpu.memory_space<hbm>> -> memref<1536xf32, #tpu.memory_space<hbm>>
      tpu.wait_dma2 semaphore(%run_scoped3A : memref<!tpu.dma_semaphore, #tpu.memory_space<semaphore_mem>>) src(%arg17 : memref<1536xf32, #tpu.memory_space<vmem>>) dst(%dma_wait3A_72 : memref<1536xf32, #tpu.memory_space<hbm>>)
      tpu.yield
    }) : () -> ()
    return
  }
}

module attributes {stable_mosaic.version = 14 : i64} {
  func.func @_mlp_body(%arg0: memref<1024x48xf32, #tpu.memory_space<vmem>>, %arg1: memref<48x512xf32, #tpu.memory_space<vmem>>, %arg2: memref<1x512xf32, #tpu.memory_space<vmem>>, %arg3: memref<512x512xf32, #tpu.memory_space<vmem>>, %arg4: memref<1x512xf32, #tpu.memory_space<vmem>>, %arg5: memref<512x512xf32, #tpu.memory_space<vmem>>, %arg6: memref<1x512xf32, #tpu.memory_space<vmem>>, %arg7: memref<512x72xf32, #tpu.memory_space<vmem>>, %arg8: memref<1x72xf32, #tpu.memory_space<vmem>>, %arg9: memref<48x72xf32, #tpu.memory_space<vmem>>, %arg10: memref<1x72xf32, #tpu.memory_space<vmem>>, %arg11: memref<1024x72xf32, #tpu.memory_space<vmem>>, %arg12: memref<1024x72xf32, #tpu.memory_space<vmem>>) attributes {dimension_semantics = [], scalar_prefetch = 0 : i64, scratch_operands = 0 : i64, tpu.core_type = #tpu.core_type<tc>} {
    %get3A = arith.constant 0 : index
    %get3A_0 = arith.constant 0 : index
    %get3A_1 = vector.load %arg0[%get3A, %get3A_0] : memref<1024x48xf32, #tpu.memory_space<vmem>>, vector<1024x48xf32>
    %get3A_2 = arith.constant 0 : index
    %get3A_3 = arith.constant 0 : index
    %get3A_4 = vector.load %arg1[%get3A_2, %get3A_3] : memref<48x512xf32, #tpu.memory_space<vmem>>, vector<48x512xf32>
    %dot_general3A = arith.constant dense<0.000000e+00> : vector<1024x512xf32>
    %dot_general3A_5 = tpu.matmul %get3A_1, %get3A_4, %dot_general3A {dimension_numbers = #tpu.dot_dimension_numbers<[1], [0], [0], [1], [0, 0, 1, 1], [], []>, transpose_lhs_hint = false} : vector<1024x48xf32>, vector<48x512xf32>, vector<1024x512xf32> -> vector<1024x512xf32>
    %get3A_6 = arith.constant 0 : index
    %get3A_7 = arith.constant 0 : index
    %get3A_8 = vector.load %arg2[%get3A_6, %get3A_7] : memref<1x512xf32, #tpu.memory_space<vmem>>, vector<1x512xf32>
    %add3A = vector.broadcast %get3A_8 : vector<1x512xf32> to vector<1024x512xf32>
    %add3A_9 = arith.addf %dot_general3A_5, %add3A : vector<1024x512xf32>
    %max3A = arith.constant 0.000000e+00 : f32
    %max3A_10 = vector.broadcast %max3A : f32 to vector<1024x512xf32>
    %max3A_11 = arith.maximumf %add3A_9, %max3A_10 : vector<1024x512xf32>
    %get3A_12 = arith.constant 0 : index
    %get3A_13 = arith.constant 0 : index
    %get3A_14 = vector.load %arg3[%get3A_12, %get3A_13] : memref<512x512xf32, #tpu.memory_space<vmem>>, vector<512x512xf32>
    %dot_general3A_15 = arith.constant dense<0.000000e+00> : vector<1024x512xf32>
    %dot_general3A_16 = tpu.matmul %max3A_11, %get3A_14, %dot_general3A_15 {dimension_numbers = #tpu.dot_dimension_numbers<[1], [0], [0], [1], [0, 0, 1, 1], [], []>, transpose_lhs_hint = false} : vector<1024x512xf32>, vector<512x512xf32>, vector<1024x512xf32> -> vector<1024x512xf32>
    %get3A_17 = arith.constant 0 : index
    %get3A_18 = arith.constant 0 : index
    %get3A_19 = vector.load %arg4[%get3A_17, %get3A_18] : memref<1x512xf32, #tpu.memory_space<vmem>>, vector<1x512xf32>
    %add3A_20 = vector.broadcast %get3A_19 : vector<1x512xf32> to vector<1024x512xf32>
    %add3A_21 = arith.addf %dot_general3A_16, %add3A_20 : vector<1024x512xf32>
    %max3A_22 = arith.constant 0.000000e+00 : f32
    %max3A_23 = vector.broadcast %max3A_22 : f32 to vector<1024x512xf32>
    %max3A_24 = arith.maximumf %add3A_21, %max3A_23 : vector<1024x512xf32>
    %get3A_25 = arith.constant 0 : index
    %get3A_26 = arith.constant 0 : index
    %get3A_27 = vector.load %arg5[%get3A_25, %get3A_26] : memref<512x512xf32, #tpu.memory_space<vmem>>, vector<512x512xf32>
    %dot_general3A_28 = arith.constant dense<0.000000e+00> : vector<1024x512xf32>
    %dot_general3A_29 = tpu.matmul %max3A_24, %get3A_27, %dot_general3A_28 {dimension_numbers = #tpu.dot_dimension_numbers<[1], [0], [0], [1], [0, 0, 1, 1], [], []>, transpose_lhs_hint = false} : vector<1024x512xf32>, vector<512x512xf32>, vector<1024x512xf32> -> vector<1024x512xf32>
    %get3A_30 = arith.constant 0 : index
    %get3A_31 = arith.constant 0 : index
    %get3A_32 = vector.load %arg6[%get3A_30, %get3A_31] : memref<1x512xf32, #tpu.memory_space<vmem>>, vector<1x512xf32>
    %add3A_33 = vector.broadcast %get3A_32 : vector<1x512xf32> to vector<1024x512xf32>
    %add3A_34 = arith.addf %dot_general3A_29, %add3A_33 : vector<1024x512xf32>
    %max3A_35 = arith.constant 0.000000e+00 : f32
    %max3A_36 = vector.broadcast %max3A_35 : f32 to vector<1024x512xf32>
    %max3A_37 = arith.maximumf %add3A_34, %max3A_36 : vector<1024x512xf32>
    %get3A_38 = arith.constant 0 : index
    %get3A_39 = arith.constant 0 : index
    %get3A_40 = vector.load %arg7[%get3A_38, %get3A_39] : memref<512x72xf32, #tpu.memory_space<vmem>>, vector<512x72xf32>
    %dot_general3A_41 = arith.constant dense<0.000000e+00> : vector<1024x72xf32>
    %dot_general3A_42 = tpu.matmul %max3A_37, %get3A_40, %dot_general3A_41 {dimension_numbers = #tpu.dot_dimension_numbers<[1], [0], [0], [1], [0, 0, 1, 1], [], []>, transpose_lhs_hint = false} : vector<1024x512xf32>, vector<512x72xf32>, vector<1024x72xf32> -> vector<1024x72xf32>
    %get3A_43 = arith.constant 0 : index
    %get3A_44 = arith.constant 0 : index
    %get3A_45 = vector.load %arg8[%get3A_43, %get3A_44] : memref<1x72xf32, #tpu.memory_space<vmem>>, vector<1x72xf32>
    %add3A_46 = vector.broadcast %get3A_45 : vector<1x72xf32> to vector<1024x72xf32>
    %add3A_47 = arith.addf %dot_general3A_42, %add3A_46 : vector<1024x72xf32>
    %swap3A = arith.constant 0 : index
    %swap3A_48 = arith.constant 0 : index
    %swap3A_49 = vector.load %arg11[%swap3A, %swap3A_48] : memref<1024x72xf32, #tpu.memory_space<vmem>>, vector<1024x72xf32>
    tpu.vector_store %arg11[%swap3A, %swap3A_48], %add3A_47 {strides = array<i32>} : memref<1024x72xf32, #tpu.memory_space<vmem>>, vector<1024x72xf32>,
    %get3A_50 = arith.constant 0 : index
    %get3A_51 = arith.constant 0 : index
    %get3A_52 = vector.load %arg9[%get3A_50, %get3A_51] : memref<48x72xf32, #tpu.memory_space<vmem>>, vector<48x72xf32>
    %dot_general3A_53 = arith.constant dense<0.000000e+00> : vector<1024x72xf32>
    %dot_general3A_54 = tpu.matmul %get3A_1, %get3A_52, %dot_general3A_53 {dimension_numbers = #tpu.dot_dimension_numbers<[1], [0], [0], [1], [0, 0, 1, 1], [], []>, transpose_lhs_hint = false} : vector<1024x48xf32>, vector<48x72xf32>, vector<1024x72xf32> -> vector<1024x72xf32>
    %get3A_55 = arith.constant 0 : index
    %get3A_56 = arith.constant 0 : index
    %get3A_57 = vector.load %arg10[%get3A_55, %get3A_56] : memref<1x72xf32, #tpu.memory_space<vmem>>, vector<1x72xf32>
    %add3A_58 = vector.broadcast %get3A_57 : vector<1x72xf32> to vector<1024x72xf32>
    %add3A_59 = arith.addf %dot_general3A_54, %add3A_58 : vector<1024x72xf32>
    %swap3A_60 = arith.constant 0 : index
    %swap3A_61 = arith.constant 0 : index
    %swap3A_62 = vector.load %arg12[%swap3A_60, %swap3A_61] : memref<1024x72xf32, #tpu.memory_space<vmem>>, vector<1024x72xf32>
    tpu.vector_store %arg12[%swap3A_60, %swap3A_61], %add3A_59 {strides = array<i32>} : memref<1024x72xf32, #tpu.memory_space<vmem>>, vector<1024x72xf32>,
    return
  }
}

</mosaic_0001>

<sc_bundles>
// kernel: kernel.4.cloned.1.call-start
scs
__scs_entry_jumppad:
0x0: {  	(pc) =	sbr.rel $0x88, $3  }
0x1: {  	(tag) =	ssettag $0x0;
	lr =	simm.s32 $0x1  }
0x2: {  	[smem:$0x3F95] =	sst lr;
	_ =	strace $0xD0000000  }
0x3: {  	_ = 	snop  }
0x4: {  	_ = 	snop  }
0x5: {  	_ = 	snop  }
0x6: {  	_ = 	snop  }
0x7: {  	_ = 	snop  }
__scs_overlays_trampoline_lowered:
0x8: {  	[smem:$0x3FA4] =	sst s0  }
0x9: {  	[smem:$0x3FA5] =	sst s1  }
0xa: {  	[smem:$0x3FA6] =	sst s2  }
0xb: {  	[smem:$0x3FA7] =	sst s3  }
0xc: {  	[smem:$0x3FA8] =	sst s4  }
0xd: {  	[smem:$0x3FA9] =	sst s5  }
0xe: {  	[smem:$0x3FAA] =	sst s6  }
0xf: {  	[smem:$0x3FAB] =	sst s7  }
0x10: {  	[smem:$0x3FAC] =	sst s8  }
0x11: {  	[smem:$0x3FAD] =	sst s9;
	s0 =	simm.s32 @!p0 $0x0  }
0x12: {  	s1 =	sld [smem:$0x3F93];
	s0 =	simm.s32 @p0 $0x1  }
0x13: {  	[smem:$0x3FAE] =	sst s0;
	s0 =	simm.s32 @!p1 $0x0  }
0x14: {  	s2 =	sld [smem:$0x3F92];
	s0 =	simm.s32 @p1 $0x1  }
0x15: {  	[smem:$0x3FAF] =	sst s0;
	s0 =	simm.s32 @!p2 $0x0  }
0x16: {  	s3 =	sld [smem:$0x3FDB];
	s0 =	simm.s32 @p2 $0x1  }
0x17: {  	s4 =	simm.s32 $0x1BF5;
	[smem:$0x3FB1] =	sst s0  }
0x18: {  	s0 =	sld [smem:$0x3F94];
	_ =	swait.ge [sflag:s4], $0x0  }
0x19: {  	s7 =	sld [smem:$0x3F95]  }
0x1a: {  	s8 =	sadd.s32 $0xFFFFE003, lr  }
0x1b: {  	s9 =	sadd.s32 $0xFFFFFEF7, lr;
	s5 =	simm.s32 $0xFFFFFFFF;
	p2 =	slt.u32 s8, $0xFFFFF086  }
0x1c: {  	p1 =	slt.u32 s9, $0xF7A;
	s5 =	simm.s32 @!p2 $0x0  }
0x1d: {  	s5 =	simm.s32 @p1 $0x1;
	p0 =	seq.s32 s7, s2  }
0x1e: {  	s7 =	smul.u32 @!p0 $0xF7A, s2;
	p2 =	seq.s32 @!p0 s5, $0x0  }
0x1f: {  	s9 =	smul.u32 $0xF7A, s1;
	s8 =	simm.s32 @!p0 $0x1BF5;
	p2 =	por !p2, p0  }
0x20: {  	[sflag:s8] =	ssyncset.s32 @!p0 $0xFFFFF086;
	s6 =	sadd.s32 @!p0 s3, s7;
	s7 =	simm.s32 @!p0 $0x108  }
0x21: {  	s3 =	sadd.s32 s3, s9;
	s6 =	sadd.s32 @!p0 $0x88, s6;
	s7 =	simm.s32 @p2 $0x1082  }
0x22: {  	[simem:s7], [sflag:s8] =	dma.local @!p0 [hbm:s6], $0xF7A  }
0x23: {  	s9 =	sor.u32 $0xD0000000, s2;
	s6 =	simm.s32 $0x108;
	_ =	swait.ge @!p0 [sflag:s8], $0x0  }
0x24: {  	s3 =	sadd.s32 $0x88, s3;
	s6 =	simm.s32 @!p1 $0x1082;
	[sflag:s4] =	ssyncset.s32 $0xFFFFF086  }
0x25: {  	[simem:s6], [sflag:s4] =	dma.local [hbm:s3], $0xF7A  }
0x26: {  	[smem:$0x3F95] =	sst s1;
	(tag) =	ssettag s2;
	_ =	strace s9  }
0x27: {  	s1 =	sld [smem:$0x3FA5]  }
0x28: {  	s2 =	sld [smem:$0x3FA6]  }
0x29: {  	s4 =	sld [smem:$0x3FA8]  }
0x2a: {  	p0 =	seq.s32 s5, $0x0;
	s5 =	sld [smem:$0x3FA9]  }
0x2b: {  	s6 =	sld [smem:$0x3FAA]  }
0x2c: {  	s7 =	sld [smem:$0x3FAB]  }
0x2d: {  	s3 =	simm.s32 $0x108;
	s8 =	sld [smem:$0x3FAC]  }
0x2e: {  	s3 =	simm.s32 @!p0 $0x1082;
	s9 =	sld [smem:$0x3FAD]  }
0x2f: {  	lr =	sadd.s32 s0, s3;
	s0 =	sld [smem:$0x3FA4]  }
0x30: {  	s3 =	sld [smem:$0x3FA7]  }
0x31: {  	[smem:$0x3FB0] =	sst s10  }
0x32: {  	s10 =	sld [smem:$0x3FAE];
	_ =	sdelay $0x3  }
0x33: {  	p0 =	seq.s32 s10, $0x1;
	s10 =	sld [smem:$0x3FB0];
	_ =	sdelay $0x3  }
0x34: {  	[smem:$0x3FB0] =	sst s10  }
0x35: {  	s10 =	sld [smem:$0x3FAF];
	_ =	sdelay $0x3  }
0x36: {  	p1 =	seq.s32 s10, $0x1;
	s10 =	sld [smem:$0x3FB0];
	_ =	sdelay $0x3  }
0x37: {  	[smem:$0x3FB0] =	sst s10  }
0x38: {  	s10 =	sld [smem:$0x3FB1]  }
0x39: {  	_ = 	snop;
	(pc) =	sbr.ind lr, $3  }
0x3a: {  	_ = 	snop  }
0x3b: {  	_ = 	snop  }
0x3c: {  	p2 =	seq.s32 s10, $0x1;
	s10 =	sld [smem:$0x3FB0]  }
0x3d: {  	_ =	shalt  }
0x3e: {  	_ =	shalt  }
0x3f: {  	_ =	shalt  }
0x40: {  	_ =	shalt  }
0x41: {  	_ =	shalt  }
0x42: {  	_ =	shalt  }
0x43: {  	_ =	shalt  }
0x44: {  	_ =	shalt  }
0x45: {  	_ =	shalt  }
0x46: {  	_ =	shalt  }
0x47: {  	_ =	shalt  }
0x48: {  	_ =	shalt  }
0x49: {  	_ =	shalt  }
0x4a: {  	_ =	shalt  }
0x4b: {  	_ =	shalt  }
0x4c: {  	_ =	shalt  }
0x4d: {  	_ =	shalt  }
0x4e: {  	_ =	shalt  }
0x4f: {  	_ =	shalt  }
0x50: {  	_ =	shalt  }
0x51: {  	_ =	shalt  }
0x52: {  	_ =	shalt  }
0x53: {  	_ =	shalt  }
0x54: {  	_ =	shalt  }
0x55: {  	_ =	shalt  }
0x56: {  	_ =	shalt  }
0x57: {  	_ =	shalt  }
0x58: {  	_ =	shalt  }
0x59: {  	_ =	shalt  }
0x5a: {  	_ =	shalt  }
0x5b: {  	_ =	shalt  }
0x5c: {  	_ =	shalt  }
0x5d: {  	_ =	shalt  }
0x5e: {  	_ =	shalt  }
0x5f: {  	_ =	shalt  }
0x60: {  	_ =	shalt  }
0x61: {  	_ =	shalt  }
0x62: {  	_ =	shalt  }
0x63: {  	_ =	shalt  }
0x64: {  	_ =	shalt  }
0x65: {  	_ =	shalt  }
0x66: {  	_ =	shalt  }
0x67: {  	_ =	shalt  }
0x68: {  	_ =	shalt  }
0x69: {  	_ =	shalt  }
0x6a: {  	_ =	shalt  }
0x6b: {  	_ =	shalt  }
0x6c: {  	_ =	shalt  }
0x6d: {  	_ =	shalt  }
0x6e: {  	_ =	shalt  }
0x6f: {  	_ =	shalt  }
0x70: {  	_ =	shalt  }
0x71: {  	_ =	shalt  }
0x72: {  	_ =	shalt  }
0x73: {  	_ =	shalt  }
0x74: {  	_ =	shalt  }
0x75: {  	_ =	shalt  }
0x76: {  	_ =	shalt  }
0x77: {  	_ =	shalt  }
0x78: {  	_ =	shalt  }
0x79: {  	_ =	shalt  }
0x7a: {  	_ =	shalt  }
0x7b: {  	_ =	shalt  }
0x7c: {  	_ =	shalt  }
0x7d: {  	_ =	shalt  }
0x7e: {  	_ =	shalt  }
0x7f: {  	_ =	shalt  }
0x80: {  	_ =	shalt  }
0x81: {  	_ =	shalt  }
0x82: {  	_ =	shalt  }
0x83: {  	_ =	shalt  }
0x84: {  	_ =	shalt  }
0x85: {  	_ =	shalt  }
0x86: {  	_ =	shalt  }
0x87: {  	_ =	shalt  }
.Lfunc_end0:
.L_simem_size_0:
called_computation_lowered:
.L_overlay_start_0:
0x88: {  	s2 =	sld [smem:$0x3FD9]  }
0x89: {  	s3 =	sld [smem:$0x3FFE];
	_ =	sdelay $0x1  }
0x8a: {  	s1 =	srdreg.scid  }
0x8b: {  	s0 =	sand.u32 $0x1, s1  }
0x8c: {  	s15 =	sshll.u32 s0, $0xA;
	s2 =	sadd.s32 s3, s2  }
0x8d: {  	s2 =	sadd.s32 s2, s15  }
0x8e: {  	[smem:$0x3FBC] =	sst s2  }
0x8f: {  	_ = 	snop  }
0x90: {  	s2 =	sld [smem:$0x3FD0];
	_ =	sdelay $0x2  }
0x91: {  	s4 =	simm.s32 $0xA;
	s5 =	simm.s32 $0x10;
	s16 =	sld [smem:$0x3FC8]  }
0x92: {  	[smem:s5], [sflag:s4] =	dma.local [hbm:s2], $0x1  }
0x93: {  	_ =	swait.eq [sflag:s4], $0x1  }
0x94: {  	[sflag:s4] =	ssyncset.done $0x0  }
0x95: {  	s17 =	sld [smem:$0x10];
	[sflag:s4] =	ssyncadd.s32 $0xFFFFFFFF  }
0x96: {  	s18 =	sld [smem:$0x11];
	(tm) =	ssettm $0x1  }
0x97: {  	s19 =	sld [smem:$0x3FFB];
	_ =	sdelay $0x3  }
0x98: {  	_ =	strace s19  }
0x99: {  	s5 =	sld [smem:$0x3FFC];
	_ =	sdelay $0x3  }
0x9a: {  	_ =	strace s5  }
0x9b: {  	s5 =	sld [smem:$0x3FFD];
	_ =	sdelay $0x3  }
0x9c: {  	_ =	strace s5  }
0x9d: {  	_ =	strace $0x8FFFFFFF  }
0x9e: {  	s20 =	sld [smem:$0x3FDB];
	_ =	sdelay $0x1  }
0x9f: {  	s6 =	simm.s32 $_scs_section_size  }
0xa0: {  	s7 =	simm.s32 $_size__tile_overlayer_lowered;
	s8 =	simm.s32 $_tile_overlayer_lowered  }
0xa1: {  	s23 =	simm.s32 $0x1BFF;
	s22 =	sshll.u32 s8, $0x1;
	s5 =	sadd.s32 s6, s20  }
0xa2: {  	s9 =	simm.s32 $0x0;
	s21 =	sshll.u32 s7, $0x1;
	s7 =	sadd.s32 s22, s5  }
0xa3: {  	[timem:s9], [sflag:s23] =	dma.local [hbm:s7], s21  }
0xa4: {  	_ =	swait.ge [sflag:s23], s21  }
0xa5: {  	s6 =	ssub.s32 $0x0, s21;
	[sflag:s23] =	ssyncset.done $0x0  }
0xa6: {  	[sflag:s23] =	ssyncadd.s32 s6;
	_ =	sdelay $0x1  }
0xa7: {  	s24 =	simm.s32 $0x1B8B  }
0xa8: {  	_ =	swait.ge [sflag:s24], $0x1  }
0xa9: {  	[sflag:s24] =	ssyncset.done $0x0  }
0xaa: {  	s25 =	simm.s32 $0x1B8E;
	[sflag:s24] =	ssyncadd.s32 $0xFFFFFFFF  }
0xab: {  	s26 =	simm.s32 $execute0_lowered;
	[smem:$0x3FD2] =	sst s25  }
0xac: {  	s6 =	sshll.u32 s26, $0x1;
	_ =	strace $0x80000046;
	[dreg:$0x1] =	wrdreg $0xFFFFFFFF  }
0xad: {  	s28 =	simm.s32 $_size_execute0_lowered;
	s5 =	sadd.s32 s5, s6;
	[dreg:$0x0] =	wrdreg $0x0  }
0xae: {  	s6 =	sshll.u32 s28, $0x1;
	[dreg:$0x2] =	wrdreg s5  }
0xaf: {  	[dreg:$0x3] =	wrdreg s6  }
0xb0: {  	[dreg:$0x4] =	wrdreg $0xC0  }
0xb1: {  	_ =	task [dreg:s9], $0x5FFFF  }
0xb2: {  	[dreg:$0x1] =	wrdreg $0xFFFFFFFF  }
0xb3: {  	[dreg:$0x0] =	wrdreg $0x60  }
0xb4: {  	[dreg:$0x2] =	wrdreg s16  }
0xb5: {  	[dreg:$0x3] =	wrdreg s17  }
0xb6: {  	[dreg:$0x4] =	wrdreg s18  }
0xb7: {  	[dreg:$0x5] =	wrdreg $0x9  }
0xb8: {  	_ =	task.clear_ibuf [dreg:s9], $0x6FFFF;
	_ =	strace $0x90000046  }
0xb9: {  	s29 =	simm.s32 $0x9;
	_ =	strace $0x80000048  }
0xba: {  	_ =	swait.ge [sflag:s29], $0x1  }
0xbb: {  	[sflag:s29] =	ssyncadd.s32 $0xFFFFFFFF  }
0xbc: {  	_ =	strace $0x90000048  }
0xbd: {  	_ =	sfence  }
0xbe: {  	s30 =	sld [smem:$0x0];
	_ =	sdelay $0x2  }
0xbf: {  	s31 =	sshll.u32 s1, $0xD;
	s1 =	sshrl.u32 s1, $0x2  }
0xc0: {  	s3 =	sand.u32 $0x4000, s31;
	s1 =	sadd.s32 s1, s30  }
0xc1: {  	s0 =	sor.u32 s3, s0;
	s1 =	sshll.u32 s1, $0x11  }
0xc2: {  	s0 =	sor.u32 s1, s0  }
0xc3: {  	s0 =	sadd.s32 $0x8F2B, s0  }
0xc4: {  	[sflag:s0] =	ssyncadd.remote.s32 $0x1  }
0xc5: {  	_ =	sfence.sel $0xFFFF  }
0xc6: {  	[dreg:$0x0] =	wrdreg $0xFFFFFFFF;
	(pc) =	sbr.abs _section_cstart, $3  }
0xc7: {  	[dreg:$0x1] =	wrdreg $0xFFFFFFFF  }
0xc8: {  	_ =	task.clear_ibuf [dreg:s9], $0x2FFFF;
	_ =	strace $0x9FFFFFFF  }
0xc9: {  	(tm) =	ssettm $0x7FFFFFFF  }
tec
execute0_lowered:
.L_overlay_start_1:
0x0: {  	(tag) =	ssettag $0x1  }
0x1: {  	s1 =	rddreg [dreg:$0x0]  }
0x2: {  	s0 =	rddreg [dreg:$0x1]  }
0x3: {  	s2 =	rddreg [dreg:$0x2]  }
0x4: {  	s3 =	simm.s32 $0x0;
	s4 =	srdreg.scid;
	s5 =	stileid.u32  }
0x5: {  	s11 =	simm.s32 $0xC000;
	s12 =	simm.s32 $0x3;
	s13 =	simm.s32 $0x80  }
0x6: {  	s14 =	simm.s32 $0x400;
	s15 =	simm.s32 $0x2000;
	s16 =	simm.s32 $0x4000  }
0x7: {  	s17 =	simm.s32 $0x6000;
	s18 =	simm.s32 $0x8000;
	s19 =	simm.s32 $0xA000  }
0x8: {  	s20 =	simm.s32 $0x1;
	s21 =	simm.s32 $0xE080;
	s22 =	simm.s32 $0xC080  }
0x9: {  	s28 =	simm.s32 $0x2;
	s4 =	sand.u32 $0x1, s4;
	s5 =	sshll.u32 s5, $0x1  }
0xa: {  	s29 =	simm.s32 $0x0;
	[smem:$0x7FF] =	sst s3;
	s5 =	sor.u32 s4, s5  }
0xb: {  	_ =	strace $0x80000047;
	s6 =	ssub.s32 $0x2, s4;
	s7 =	smul.u32 $0xC, s5  }
0xc: {  	s23 =	sshrl.u32 s6, $0x1;
	s8 =	sshll.u32 s5, $0xF;
	s24 =	smul.u32 $0xC0, s5  }
0xd: {  	s5 =	sshll.u32 s5, $0x5;
	s4 =	sadd.s32 s1, s8;
	s0 =	sadd.s32 s0, s7  }
.Ltmp0:
0xe: {  	s25 =	sadd.s32 $0x100000, s4;
	[dreg:$0x4] =	wrdreg s0;
	(pc) =	sbr.rel .LBB2_1-.Ltmp0, $4  }
0xf: {  	s6 =	ssub.s32 s6, s23;
	s26 =	sadd.s32 $0x200000, s4;
	[dreg:$0x5] =	wrdreg s25  }
0x10: {  	s23 =	simm.s32 $0xE480;
	s30 =	sadd.s32 s2, s24;
	[dreg:$0x6] =	wrdreg s26  }
0x11: {  	v0 =	vimm.f32 $0.0e+00;
	vm0 =	vmmov $0x1;
	s31 =	smax.u32 s6, $0x1;
	s24 =	simm.s32 $0x10500;
	[dreg:$0x7] =	wrdreg s30  }
0x12: {  	v1 =	vimm.s32 $0x0;
	v2 =	vlaneseq.u32;
	v3 =	vimm.f32 $+Inf;
	[dreg:$0x8] =	wrdreg s31;
	s25 =	simm.s32 $0x12580;
	s26 =	simm.s32 $0x12600  }
.LBB2_63:
0x13: {  	_ =	swait.ge [sflag:s20], $0x2000  }
0x14: {  	[sflag:s20] =	ssyncset.done $0x0  }
0x15: {  	[sflag:s20] =	ssyncadd.s32 $0xFFFFE000  }
0x16: {  	_ =	swait.ge [sflag:s20], $0x2000  }
0x17: {  	[sflag:s20] =	ssyncset.done $0x0  }
0x18: {  	[sflag:s20] =	ssyncadd.s32 $0xFFFFE000  }
0x19: {  	_ =	swait.ge [sflag:s20], $0x2000  }
0x1a: {  	[sflag:s20] =	ssyncset.done $0x0  }
0x1b: {  	s0 =	rddreg [dreg:$0x7];
	[sflag:s20] =	ssyncadd.s32 $0xFFFFE000  }
0x1c: {  	[hbm4b:s0+s3] =	stream.linear.scatter [tilespmem:s26], [sflag:$0x3], $0x600, $0x38;
	[tilespmem:$0x12C00] =	vst v63  }
0x1d: {  	_ =	swait.ge [sflag:s12], $0x600  }
0x1e: {  	s29 =	sadd.s32 $0x1, s29;
	s31 =	rddreg [dreg:$0x8]  }
0x1f: {  	p0 =	sne.s32 s29, s31  }
.Ltmp1:
0x20: {  	_ = 	snop;
	(pc) =	sbr.rel @!p0 .LBB2_64-.Ltmp1, $3  }
0x21: {  	_ =	sdelay $0x1  }
0x22: {  	[sflag:s12] =	ssyncset.done $0x0  }
0x23: {  	[sflag:s12] =	ssyncadd.s32 $0xFFFFFA00  }
.LBB2_1:
0x24: {  	s0 =	rddreg [dreg:$0x4]  }
0x25: {  	[tilespmem:s11], [sflag:$0x3] =	stream.linear.gather [hbm4b:s0+s3], $0x60, $0x38;
	[tilespmem:$0x12C00] =	vst v63  }
0x26: {  	_ =	swait.ge [sflag:s12], $0x60  }
0x27: {  	[sflag:s12] =	ssyncset.done $0x0  }
0x28: {  	s2 =	simm.s32 $0x0;
	s0 =	simm.s32 $0x40;
	[sflag:s12] =	ssyncadd.s32 $0xFFFFFFA0  }
.LBB2_2:
0x29: {  	p0 =	sne.s32 s0, $0x17C0;
	[tilespmem:s2+$0x12600] =	vst v0;
	s2 =	smov.u32 s0;
	s0 =	sadd.s32 $0x40, s0  }
.Ltmp2:
0x2a: {  	(pc) =	sbr.rel @p0 .LBB2_2-.Ltmp2, $2  }
0x2b: {  	_ =	sdelay $0x2  }
0x2c: {  	s2 =	sshra.s32 s2, $0x2  }
0x2d: {  	[tilespmem:s2+$0x12600] =	vst v0;
	s30 =	simm.s32 $0x0  }
0x2e: {  	[tilespmem:s30], [sflag:$0x1] =	stream.strided.gather [hbm4b:s4+s13], $0x2000, s14, s13, $0x38;
	[tilespmem:$0x12C00] =	vst v63  }
.Ltmp3:
0x2f: {  	_ = 	snop;
	(pc) =	sbr.rel .LBB2_4-.Ltmp3, $4  }
0x30: {  	s0 =	rddreg [dreg:$0x5]  }
0x31: {  	[tilespmem:s15], [sflag:$0x1] =	stream.strided.gather [hbm4b:s0+s13], $0x2000, s14, s13, $0x38;
	[tilespmem:$0x12C00] =	vst v63  }
0x32: {  	s31 =	rddreg [dreg:$0x6]  }
0x33: {  	[tilespmem:s16], [sflag:$0x1] =	stream.strided.gather [hbm4b:s31+s13], $0x2000, s14, s13, $0x38;
	[tilespmem:$0x12C00] =	vst v63  }
.LBB2_62:
0x34: {  	v10 =	vld [tilespmem:$0x12580];
	_ =	sdelay $0x7  }
0x35: {  	s0 =	smul.u32 $0x30, s31;
	v11 =	vld.idx.msk [tilespmem:v10+s17+$0x0], $0xffff  }
0x36: {  	v12 =	vld.idx.msk [tilespmem:v10+s18+$0x0], $0xffff  }
0x37: {  	v4 =	vadd.s32 s0, v4;
	v10 =	vld.idx.msk [tilespmem:v10+s19+$0x0], $0xffff  }
0x38: {  	s30 =	sadd.s32 $0x1, s30;
	v5 =	vadd.s32 s0, v5  }
0x39: {  	p0 =	sne.s32 s30, $0x10;
	v6 =	vadd.s32 s0, v6  }
.Ltmp4:
0x3a: {  	v7 =	vsub.f32 v11, v7;
	(pc) =	sbr.rel @!p0 .LBB2_63-.Ltmp4, $4  }
0x3b: {  	v8 =	vsub.f32 v12, v8  }
0x3c: {  	v9 =	vsub.f32 v10, v9;
	[tilespmem:v4+s26+$0x0] =	vst.idx.msk $0xfff, v7  }
0x3d: {  	[tilespmem:v5+s26+$0x0] =	vst.idx.msk $0xfff, v8  }
0x3e: {  	[tilespmem:v6+s26+$0x0] =	vst.idx.msk $0xfff, v9  }
.LBB2_4:
0x3f: {  	s31 =	sshll.u32 s30, $0x1  }
0x40: {  	s0 =	sor.u32 s5, s31  }
0x41: {  	s2 =	sshll.u32 s0, $0xD;
	s0 =	sshll.u32 s0, $0x7  }
0x42: {  	s2 =	sand.u32 $0x7FFF0000, s2;
	s0 =	sand.u32 $0x300, s0  }
0x43: {  	s0 =	sor.u32 s2, s0  }
0x44: {  	s2 =	sor.u32 $0x80, s0  }
0x45: {  	s2 =	sshrl.u32 s2, $0x3  }
0x46: {  	s8 =	sadd.s32 $0x800080, s0;
	s2 =	sadd.s32 s1, s2  }
0x47: {  	[tilespmem:s17], [sflag:$0x2] =	stream.strided.gather [hbm4b:s2+s13], $0x2000, s14, s13, $0x38;
	[tilespmem:$0x12C00] =	vst v63  }
0x48: {  	s0 =	sadd.s32 $0x1000080, s0;
	s2 =	sshrl.u32 s8, $0x3  }
0x49: {  	s0 =	sshrl.u32 s0, $0x3;
	s2 =	sadd.s32 s1, s2  }
0x4a: {  	[tilespmem:s18], [sflag:$0x2] =	stream.strided.gather [hbm4b:s2+s13], $0x2000, s14, s13, $0x38;
	[tilespmem:$0x12C00] =	vst v63  }
0x4b: {  	s0 =	sadd.s32 s1, s0  }
0x4c: {  	[tilespmem:s19], [sflag:$0x2] =	stream.strided.gather [hbm4b:s0+s13], $0x2000, s14, s13, $0x38;
	[tilespmem:$0x12C00] =	vst v63  }
0x4d: {  	s9 =	smul.u32 $0x6, s30;
	_ =	swait.ge [sflag:s20], $0x2000  }
0x4e: {  	[sflag:s20] =	ssyncset.done $0x0  }
0x4f: {  	v4 =	vmov s9;
	[sflag:s20] =	ssyncadd.s32 $0xFFFFE000  }
0x50: {  	s10 =	sadd.s32 $0x2, s9;
	v4 =	vbroadcast v4, $0x0;
	_ =	swait.ge [sflag:s20], $0x2000  }
0x51: {  	v5 =	vmov s10;
	s0 =	sor.u32 $0x1, s9;
	[sflag:s20] =	ssyncset.done $0x0  }
0x52: {  	v5 =	vbroadcast v5, $0x0;
	v6 =	vmov s0;
	[sflag:s20] =	ssyncadd.s32 $0xFFFFE000  }
0x53: {  	_ =	swait.ge [sflag:s20], $0x2000  }
0x54: {  	[sflag:s20] =	ssyncset.done $0x0  }
0x55: {  	[sflag:s20] =	ssyncadd.s32 $0xFFFFE000  }
0x56: {  	v9 =	vld.idx.msk [tilespmem:v4+s11+$0x0], $0xffff  }
0x57: {  	v8 =	vld.idx.msk [tilespmem:v6+s11+$0x0], $0xffff  }
0x58: {  	s6 =	simm.s32 $0x2040;
	v7 =	vld.idx.msk [tilespmem:v5+s11+$0x0], $0xffff  }
0x59: {  	s0 =	simm.s32 $0x4040;
	v4 =	vld [tilespmem:s6+$0xFFFFFFE0]  }
0x5a: {  	s2 =	simm.s32 $0x40;
	v5 =	vld [tilespmem:s0+$0x30]  }
0x5b: {  	v10 =	vld [tilespmem:s2+$0x30]  }
0x5c: {  	v11 =	vld [tilespmem:s0+$0xFFFFFFF0]  }
0x5d: {  	v12 =	vld [tilespmem:s6+$0x30]  }
0x5e: {  	v14 =	vld [tilespmem:s2+$0x0]  }
0x5f: {  	v15 =	vld [tilespmem:s0+$0xFFFFFFE0]  }
0x60: {  	v13 =	vld [tilespmem:s6+$0x0]  }
0x61: {  	v16 =	vld [tilespmem:s6+$0xFFFFFFF0]  }
0x62: {  	v17 =	vld [tilespmem:s0+$0xFFFFFFC0]  }
0x63: {  	v19 =	vld [tilespmem:s2+$0xFFFFFFC0]  }
0x64: {  	v24 =	vld [tilespmem:s6+$0xFFFFFFC0]  }
0x65: {  	v23 =	vld [tilespmem:s2+$0xFFFFFFE0];
	v4 =	vsub.f32 v4, v8  }
0x66: {  	v6 =	vld [tilespmem:s2+$0xFFFFFFD0];
	v18 =	vsub.f32 v10, v9;
	v22 =	vsub.f32 v5, v7  }
0x67: {  	v21 =	vld [tilespmem:s2+$0xFFFFFFF0];
	v12 =	vsub.f32 v12, v8;
	v13 =	vsub.f32 v13, v8  }
0x68: {  	v27 =	vld [tilespmem:s6+$0x20];
	v10 =	vimm.f32 $+Inf;
	v16 =	vsub.f32 v16, v8;
	v15 =	vsub.f32 v15, v7  }
0x69: {  	v20 =	vld [tilespmem:s6+$0xFFFFFFD0];
	v31 =	vsub.f32 v17, v7;
	v26 =	vsub.f32 v24, v8;
	v5 =	vmul.f32 v4, v4  }
0x6a: {  	v30 =	vld [tilespmem:s6+$0x10];
	v25 =	vsub.f32 v23, v9;
	v4 =	vmul.f32 v18, v18;
	v12 =	vmul.f32 v12, v12  }
0x6b: {  	v24 =	vld [tilespmem:s2+$0x20];
	v28 =	vmul.f32 v22, v22;
	v22 =	vsub.f32 v11, v7;
	v11 =	vsub.f32 v14, v9  }
0x6c: {  	v18 =	vld [tilespmem:s0+$0x0];
	v4 =	vadd.f32 v12, v4;
	v12 =	vmul.f32 v15, v15;
	v15 =	vsub.f32 v21, v9  }
0x6d: {  	v17 =	vsub.f32 v27, v8;
	v23 =	vld [tilespmem:s0+$0xFFFFFFD0];
	v29 =	vmul.f32 v16, v16;
	v14 =	vsub.f32 v19, v9  }
0x6e: {  	v20 =	vsub.f32 v20, v8;
	v16 =	vld [tilespmem:s2+$0x10];
	v11 =	vmul.f32 v11, v11;
	v15 =	vmul.f32 v15, v15  }
0x6f: {  	s7 =	simm.s32 $0x0;
	v19 =	vld [tilespmem:s0+$0x10];
	v21 =	vmul.f32 v22, v22;
	v22 =	vmul.f32 v14, v14;
	v4 =	vadd.f32 v28, v4  }
0x70: {  	s8 =	simm.s32 $0x20C0;
	s9 =	simm.s32 $0xC140;
	s6 =	simm.s32 $0xC0C0;
	v14 =	vmul.f32 v31, v31;
	v28 =	vsub.f32 v30, v8;
	v27 =	vadd.f32 v29, v15;
	v15 =	vld [tilespmem:s0+$0x20]  }
.LBB2_5:
0x71: {  	v29 =	vld [tilespmem:s8+$0xFFFFFFE0];
	s7 =	sadd.s32 $0x8, s7;
	v26 =	vmul.f32 v26, v26;
	v18 =	vsub.f32 v18, v7;
	v13 =	vmul.f32 v13, v13;
	s2 =	sadd.s32 $0x80, s2;
	s0 =	sadd.s32 $0x80, s0  }
0x72: {  	v25 =	vmul.f32 v25, v25;
	v30 =	vld [tilespmem:s0+$0x30];
	p0 =	slt.u32 s7, $0x1F8;
	v28 =	vmul.f32 v28, v28;
	v24 =	vsub.f32 v24, v9  }
0x73: {  	v16 =	vsub.f32 v16, v9;
	v21 =	vadd.f32 v21, v27;
	v31 =	vld [tilespmem:s2+$0x30];
	v18 =	vmul.f32 v18, v18  }
0x74: {  	v22 =	vadd.f32 v26, v22;
	v19 =	vsub.f32 v19, v7;
	v27 =	vld [tilespmem:s0+$0xFFFFFFF0];
	v24 =	vmul.f32 v24, v24  }
0x75: {  	v6 =	vsub.f32 v6, v9;
	v17 =	vmul.f32 v17, v17;
	v23 =	vsub.f32 v23, v7;
	v26 =	vld [tilespmem:s8+$0x30];
	[tilespmem:s6+$0xFFFFFFF0] =	vst v21  }
0x76: {  	v20 =	vmul.f32 v20, v20;
	v25 =	vadd.f32 v5, v25;
	v29 =	vsub.f32 v29, v8;
	v32 =	vld [tilespmem:s2+$0x0]  }
0x77: {  	v6 =	vmul.f32 v6, v6;
	v19 =	vmul.f32 v19, v19;
	v33 =	vld [tilespmem:s0+$0xFFFFFFE0];
	v30 =	vsub.f32 v30, v7  }
0x78: {  	v23 =	vmul.f32 v23, v23;
	v17 =	vadd.f32 v17, v24;
	v34 =	vld [tilespmem:s8+$0x0];
	v31 =	vsub.f32 v31, v9  }
0x79: {  	v6 =	vadd.f32 v20, v6;
	v12 =	vadd.f32 v12, v25;
	v5 =	vmul.f32 v29, v29;
	v24 =	vld [tilespmem:s8+$0xFFFFFFF0]  }
0x7a: {  	v16 =	vmul.f32 v16, v16;
	v14 =	vadd.f32 v14, v22;
	v15 =	vsub.f32 v15, v7;
	v20 =	vld [tilespmem:s0+$0xFFFFFFC0]  }
0x7b: {  	v23 =	vadd.f32 v23, v6;
	v25 =	vsub.f32 v26, v8;
	v26 =	vmul.f32 v31, v31;
	v22 =	vld [tilespmem:s2+$0xFFFFFFC0];
	[tilespmem:s6+$0xFFFFFFE0] =	vst v12  }
0x7c: {  	v11 =	vadd.f32 v13, v11;
	v10 =	vmin.f32 v10, v14;
	v29 =	vmul.f32 v30, v30;
	v6 =	vld [tilespmem:s2+$0xFFFFFFD0];
	[tilespmem:s6+$0xFFFFFFC0] =	vst v14  }
0x7d: {  	v16 =	vadd.f32 v28, v16;
	v15 =	vmul.f32 v15, v15;
	v10 =	vmin.f32 v10, v23;
	v14 =	vld [tilespmem:s8+$0xFFFFFFD0];
	[tilespmem:s6+$0xFFFFFFD0] =	vst v23  }
0x7e: {  	v11 =	vadd.f32 v18, v11;
	v10 =	vmin.f32 v10, v12;
	v13 =	vsub.f32 v34, v8;
	v23 =	vld [tilespmem:s2+$0xFFFFFFF0]  }
0x7f: {  	v10 =	vmin.f32 v10, v21;
	v12 =	vsub.f32 v24, v8;
	v24 =	vmul.f32 v25, v25;
	v28 =	vld [tilespmem:s2+$0xFFFFFFE0];
	[tilespmem:s6+$0x30] =	vst v4  }
0x80: {  	v10 =	vmin.f32 v10, v11;
	v25 =	vsub.f32 v33, v7;
	v21 =	vld [tilespmem:s8+$0xFFFFFFC0];
	[tilespmem:s6+$0x0] =	vst v11;
	v11 =	vadd.f32 v19, v16  }
0x81: {  	v15 =	vadd.f32 v15, v17;
	v19 =	vsub.f32 v27, v7;
	v27 =	vmul.f32 v12, v12;
	v30 =	vld [tilespmem:s8+$0x20]  }
0x82: {  	v16 =	vsub.f32 v32, v9;
	v31 =	vadd.f32 v24, v26;
	v18 =	vld [tilespmem:s0+$0x0];
	v10 =	vmin.f32 v10, v11  }
0x83: {  	v22 =	vsub.f32 v22, v9;
	v12 =	vmul.f32 v25, v25;
	v17 =	vsub.f32 v23, v9;
	v32 =	vld [tilespmem:s8+$0x10];
	[tilespmem:s6+$0x10] =	vst v11  }
.Ltmp5:
0x84: {  	v33 =	vsub.f32 v20, v7;
	v11 =	vmul.f32 v16, v16;
	v10 =	vmin.f32 v10, v15;
	v16 =	vld [tilespmem:s2+$0x10];
	[tilespmem:s6+$0x20] =	vst v15;
	s6 =	smov.u32 s9;
	(pc) =	sbr.rel @p0 .LBB2_5-.Ltmp5, $4  }
0x85: {  	v10 =	vmin.f32 v10, v4;
	v26 =	vsub.f32 v21, v8;
	v21 =	vmul.f32 v19, v19;
	v24 =	vld [tilespmem:s2+$0x20]  }
0x86: {  	v25 =	vsub.f32 v28, v9;
	v15 =	vmul.f32 v17, v17;
	v19 =	vld [tilespmem:s0+$0x10];
	v17 =	vsub.f32 v30, v8  }
0x87: {  	v22 =	vmul.f32 v22, v22;
	v20 =	vsub.f32 v14, v8;
	v4 =	vadd.f32 v29, v31;
	v23 =	vld [tilespmem:s0+$0xFFFFFFD0]  }
0x88: {  	v14 =	vmul.f32 v33, v33;
	s8 =	sadd.s32 $0x80, s8;
	s9 =	sadd.s32 $0x80, s9;
	v27 =	vadd.f32 v27, v15;
	v28 =	vsub.f32 v32, v8;
	v15 =	vld [tilespmem:s0+$0x20]  }
0x89: {  	v26 =	vmul.f32 v26, v26  }
0x8a: {  	v18 =	vsub.f32 v18, v7;
	v13 =	vmul.f32 v13, v13;
	v25 =	vmul.f32 v25, v25  }
0x8b: {  	v6 =	vsub.f32 v6, v9;
	v16 =	vsub.f32 v16, v9;
	v20 =	vmul.f32 v20, v20  }
0x8c: {  	v17 =	vmul.f32 v17, v17;
	v28 =	vmul.f32 v28, v28;
	v24 =	vsub.f32 v24, v9  }
0x8d: {  	v21 =	vadd.f32 v21, v27;
	v6 =	vmul.f32 v6, v6;
	v23 =	vsub.f32 v23, v7  }
0x8e: {  	v18 =	vmul.f32 v18, v18;
	v22 =	vadd.f32 v26, v22;
	v19 =	vsub.f32 v19, v7  }
0x8f: {  	v5 =	vadd.f32 v5, v25;
	v6 =	vadd.f32 v20, v6;
	v23 =	vmul.f32 v23, v23  }
0x90: {  	v11 =	vadd.f32 v13, v11;
	v24 =	vmul.f32 v24, v24;
	v14 =	vadd.f32 v14, v22  }
0x91: {  	v5 =	vadd.f32 v12, v5;
	v12 =	vmul.f32 v16, v16;
	v6 =	vadd.f32 v23, v6  }
0x92: {  	v19 =	vmul.f32 v19, v19;
	v15 =	vsub.f32 v15, v7;
	v10 =	vmin.f32 v10, v14  }
0x93: {  	[tilespmem:s6+$0x30] =	vst v4;
	v13 =	vadd.f32 v17, v24;
	v12 =	vadd.f32 v28, v12;
	v10 =	vmin.f32 v10, v6  }
0x94: {  	[tilespmem:s6+$0xFFFFFFE0] =	vst v5;
	v15 =	vmul.f32 v15, v15;
	v5 =	vmin.f32 v10, v5;
	v10 =	vadd.f32 v18, v11  }
0x95: {  	[tilespmem:s6+$0xFFFFFFF0] =	vst v21;
	v11 =	vadd.f32 v19, v12;
	v5 =	vmin.f32 v5, v21  }
0x96: {  	[tilespmem:s6+$0xFFFFFFD0] =	vst v6;
	v6 =	vadd.f32 v15, v13;
	v5 =	vmin.f32 v5, v10  }
0x97: {  	[tilespmem:s6+$0xFFFFFFC0] =	vst v14;
	v5 =	vmin.f32 v5, v11  }
0x98: {  	[tilespmem:s6+$0x20] =	vst v6;
	v5 =	vmin.f32 v5, v6  }
0x99: {  	[tilespmem:s6+$0x0] =	vst v10;
	v4 =	vmin.f32 v5, v4  }
0x9a: {  	s0 =	simm.s32 $0xC0C0;
	[tilespmem:s6+$0x10] =	vst v11;
	(xrf0) =	vmax.scan.msk.f32 $0xffff, v4  }
0x9b: {  	v11 =	vld [tilespmem:s0+$0x10]  }
0x9c: {  	v12 =	vld [tilespmem:s0+$0x0]  }
0x9d: {  	v13 =	vld [tilespmem:s0+$0xFFFFFFF0]  }
0x9e: {  	v5 =	vld [tilespmem:s0+$0x20]  }
0x9f: {  	v6 =	vld [tilespmem:s0+$0x30]  }
0xa0: {  	v14 =	vld [tilespmem:s0+$0xFFFFFFC0];
	v4, _, _ =	vpop (xrf0)  }
0xa1: {  	v15 =	vld [tilespmem:s0+$0xFFFFFFD0];
	v4 =	vbroadcast v4, $0xF  }
0xa2: {  	v16 =	vld [tilespmem:s0+$0xFFFFFFE0]  }
0xa3: {  	v10 =	vimm.s32 $0x0;
	vm1 =	vle.f32 v5, v4  }
0xa4: {  	vm3 =	vle.f32 v12, v4;
	vm2 =	vle.f32 v11, v4;
	vm4 =	vle.f32 v6, v4  }
0xa5: {  	vm5 =	vle.f32 v14, v4;
	vm6 =	vle.f32 v13, v4;
	v13 =	vmpcnt.ones.xlane vm1  }
0xa6: {  	v5 =	vmpcnt.ones.xlane vm5;
	vm1 =	vle.f32 v15, v4;
	v18 =	vmpcnt.ones.xlane vm4  }
0xa7: {  	v14 =	vmpcnt.ones.xlane vm2;
	v6 =	vmpcnt.ones.xlane vm1;
	vm1 =	vle.f32 v16, v4  }
0xa8: {  	v12 =	vmpcnt.ones.xlane vm3;
	vm2 =	vgt.s32 v5, $0x0;
	v11 =	vmpcnt.ones.xlane vm1  }
0xa9: {  	v15 =	vmpcnt.ones.xlane vm6;
	v5 =	vsel vm2, $0x1, v1;
	vm1 =	vgt.s32 v6, $0x0  }
0xaa: {  	v5 =	vadd.s32 v5, v10;
	v6 =	vsel vm1, $0x1, v1;
	vm3 =	vgt.s32 v11, $0x0  }
0xab: {  	vm4 =	vgt.s32 v15, $0x0;
	v6 =	vadd.s32 v6, v5;
	v11 =	vsel vm3, $0x1, v1  }
0xac: {  	vm5 =	vgt.s32 v12, $0x0;
	v15 =	vsel vm4, $0x1, v1;
	v11 =	vadd.s32 v11, v6  }
0xad: {  	s6 =	simm.s32 $0xC140;
	vm6 =	vgt.s32 v14, $0x0;
	v12 =	vadd.s32 v15, v11;
	v15 =	vsel vm5, $0x1, v1  }
0xae: {  	v16 =	vld [tilespmem:s6+$0x20];
	vm7 =	vgt.s32 v13, $0x0;
	v17 =	vsel vm6, $0x1, v1;
	v14 =	vadd.s32 v15, v12  }
0xaf: {  	s2 =	simm.s32 $0x0;
	s7 =	simm.s32 $0x10;
	s0 =	simm.s32 $0x8;
	vm8 =	vgt.s32 v18, $0x0;
	v15 =	vld [tilespmem:s6+$0x30];
	v13 =	vadd.s32 v17, v14;
	v17 =	vsel vm7, $0x1, v1  }
.LBB2_7:
0xb0: {  	p0 =	slt.u32 s7, $0x1F8;
	v18 =	vld [tilespmem:s6+$0x10];
	vm11 =	vmand vm2, vm0;
	v17 =	vadd.s32 v17, v13;
	v19 =	vsel vm8, $0x1, v1  }
0xb1: {  	vm9 =	vmand vm1, vm0;
	vm10 =	vmand vm3, vm0;
	v20 =	vld [tilespmem:s6+$0x0];
	v19 =	vadd.s32 v19, v17  }
0xb2: {  	vm3 =	vmand vm4, vm0;
	vm1 =	vmand vm5, vm0;
	vm4 =	vmand vm6, vm0;
	v21 =	vld [tilespmem:s6+$0xFFFFFFF0]  }
0xb3: {  	s8 =	sadd.s32 $0x1, s2;
	s9 =	sadd.s32 $0x2, s2;
	vm2 =	vmand vm7, vm0;
	vm5 =	vmand vm8, vm0;
	v22 =	vld [tilespmem:s6+$0xFFFFFFC0]  }
0xb4: {  	v24 =	vmov s2;
	s10 =	sadd.s32 $0x5, s2;
	v25 =	vmov s8;
	v26 =	vmov s9;
	s8 =	sadd.s32 $0x3, s2;
	s9 =	sadd.s32 $0x4, s2;
	v23 =	vld [tilespmem:s6+$0xFFFFFFD0]  }
0xb5: {  	v30 =	vmov s10;
	v28 =	vmov s8;
	v29 =	vmov s9;
	s8 =	sadd.s32 $0x6, s2;
	s9 =	sadd.s32 $0x7, s2;
	s2 =	smov.u32 s0;
	v27 =	vld [tilespmem:s6+$0xFFFFFFE0]  }
0xb6: {  	s0 =	smov.u32 s7;
	vm6 =	vle.f32 v16, v4;
	v16 =	vmov s8;
	[tilespmem:v10+s21+$0x0] =	vst.idx.msk vm11, v24;
	v24 =	vmov s9;
	v10 =	vmovc v19  }
0xb7: {  	vm8 =	vle.f32 v18, v4;
	vm7 =	vle.f32 v20, v4;
	vm11 =	vle.f32 v15, v4  }
0xb8: {  	v15 =	vmpcnt.ones.xlane vm6;
	vm13 =	vle.f32 v21, v4;
	vm12 =	vle.f32 v22, v4;
	[tilespmem:v14+s21+$0x0] =	vst.idx.msk vm4, v30  }
0xb9: {  	v18 =	vmpcnt.ones.xlane vm11;
	v14 =	vmpcnt.ones.xlane vm12;
	vm4 =	vle.f32 v23, v4;
	[tilespmem:v17+s21+$0x0] =	vst.idx.msk vm5, v24  }
0xba: {  	v20 =	vmpcnt.ones.xlane vm8;
	v17 =	vmpcnt.ones.xlane vm4;
	vm4 =	vle.f32 v27, v4;
	[tilespmem:v13+s21+$0x0] =	vst.idx.msk vm2, v16  }
0xbb: {  	vm2 =	vgt.s32 v14, $0x0;
	v13 =	vmpcnt.ones.xlane vm4;
	v14 =	vmpcnt.ones.xlane vm7;
	[tilespmem:v12+s21+$0x0] =	vst.idx.msk vm1, v29  }
0xbc: {  	v16 =	vmpcnt.ones.xlane vm13;
	v12 =	vsel vm2, $0x1, v1;
	vm1 =	vgt.s32 v17, $0x0;
	[tilespmem:v11+s21+$0x0] =	vst.idx.msk vm3, v28  }
0xbd: {  	v11 =	vadd.s32 v12, v19;
	v12 =	vsel vm1, $0x1, v1;
	vm3 =	vgt.s32 v13, $0x0;
	[tilespmem:v6+s21+$0x0] =	vst.idx.msk vm10, v26  }
.Ltmp6:
0xbe: {  	vm4 =	vgt.s32 v16, $0x0;
	v6 =	vadd.s32 v12, v11;
	v12 =	vsel vm3, $0x1, v1;
	[tilespmem:v5+s21+$0x0] =	vst.idx.msk vm9, v25;
	v5 =	vmovc v11;
	(pc) =	sbr.rel @p0 .LBB2_7-.Ltmp6, $4  }
0xbf: {  	vm5 =	vgt.s32 v14, $0x0;
	v11 =	vadd.s32 v12, v6;
	v12 =	vsel vm4, $0x1, v1  }
0xc0: {  	s6 =	sadd.s32 $0x80, s6;
	vm6 =	vgt.s32 v20, $0x0;
	v13 =	vsel vm5, $0x1, v1;
	v12 =	vadd.s32 v12, v11  }
0xc1: {  	vm7 =	vgt.s32 v15, $0x0;
	v16 =	vld [tilespmem:s6+$0x20];
	v14 =	vadd.s32 v13, v12;
	v13 =	vsel vm6, $0x1, v1  }
0xc2: {  	s7 =	sadd.s32 $0x8, s7;
	vm8 =	vgt.s32 v18, $0x0;
	v17 =	vsel vm7, $0x1, v1;
	v15 =	vld [tilespmem:s6+$0x30];
	v13 =	vadd.s32 v13, v14  }
0xc3: {  	v18 =	vld [tilespmem:s6+$0x10]  }
0xc4: {  	v19 =	vld [tilespmem:s6+$0x0]  }
0xc5: {  	v21 =	vld [tilespmem:s6+$0xFFFFFFC0]  }
0xc6: {  	v22 =	vld [tilespmem:s6+$0xFFFFFFD0]  }
0xc7: {  	v24 =	vld [tilespmem:s6+$0xFFFFFFE0]  }
0xc8: {  	v20 =	vld [tilespmem:s6+$0xFFFFFFF0];
	v17 =	vadd.s32 v17, v13;
	v23 =	vsel vm8, $0x1, v1;
	v46 =	vimm.s32 $0x0  }
0xc9: {  	v23 =	vadd.s32 v23, v17;
	vm9 =	vle.f32 v16, v4;
	vm12 =	vle.f32 v15, v4  }
0xca: {  	v38 =	vmpcnt.ones.xlane vm9;
	vm10 =	vle.f32 v19, v4;
	vm11 =	vle.f32 v18, v4  }
0xcb: {  	vm13 =	vle.f32 v21, v4;
	vm15 =	vle.f32 v22, v4;
	v40 =	vmpcnt.ones.xlane vm12  }
0xcc: {  	vm9 =	vle.f32 v24, v4;
	v39 =	vmpcnt.ones.xlane vm13;
	v41 =	vmpcnt.ones.xlane vm15  }
0xcd: {  	vm14 =	vle.f32 v20, v4;
	v42 =	vmpcnt.ones.xlane vm11;
	v43 =	vmpcnt.ones.xlane vm9  }
0xce: {  	v44 =	vmpcnt.ones.xlane vm10;
	v47 =	vmpcnt.ones.xlane vm14;
	vm13 =	vgt.s32 v39, $0x0  }
0xcf: {  	vm12 =	vgt.s32 v41, $0x0;
	vm10 =	vgt.s32 v43, $0x0;
	v45 =	vsel vm13, $0x1, v1  }
0xd0: {  	vm11 =	vgt.s32 v47, $0x0;
	v48 =	vsel vm12, $0x1, v1;
	v22 =	vadd.s32 v45, v23  }
0xd1: {  	v19 =	vsel vm12, $0xFFFFFFFF, v46;
	v50 =	vsel vm10, $0x1, v1;
	v49 =	vadd.s32 v48, v22  }
0xd2: {  	v52 =	vsel vm11, $0x1, v1;
	vm12 =	vgt.s32 v44, $0x0;
	v51 =	vadd.s32 v50, v49  }
0xd3: {  	vm15 =	vgt.s32 v42, $0x0;
	v54 =	vsel vm12, $0x1, v1;
	v53 =	vadd.s32 v52, v51  }
0xd4: {  	vm14 =	vgt.s32 v38, $0x0;
	v56 =	vsel vm15, $0x1, v1;
	v55 =	vadd.s32 v54, v53  }
0xd5: {  	v58 =	vsel vm14, $0x1, v1;
	vm9 =	vgt.s32 v40, $0x0;
	v57 =	vadd.s32 v56, v55  }
0xd6: {  	v60 =	vsel vm9, $0x1, v1;
	v59 =	vadd.s32 v58, v57  }
0xd7: {  	v24 =	vadd.s32 v60, v59  }
0xd8: {  	v24 =	vxor.u32 $0x80000000, v24  }
0xd9: {  	(xrf0) =	vmax.scan.msk.u32 $0xffff, v24;
	_ =	sdelay $0x1  }
0xda: {  	vm2 =	vmand vm2, vm0  }
0xdb: {  	vm5 =	vmand vm5, vm0  }
0xdc: {  	vm6 =	vmand vm6, vm0  }
0xdd: {  	vm8 =	vmand vm8, vm0  }
0xde: {  	vm7 =	vmand vm7, vm0;
	v24, _, _ =	vpop (xrf0)  }
0xdf: {  	vm4 =	vmand vm4, vm0;
	v61 =	vmov s2;
	s10 =	sadd.s32 $0x4, s2;
	[tilespmem:$0x1FFF0] =	vst v19;
	(v2sf) =	vpush v24, $0xF  }
0xe0: {  	s8 =	sadd.s32 $0x5, s2;
	vm1 =	vmand vm1, vm0;
	v62 =	vmov s10;
	[tilespmem:v10+s21+$0x0] =	vst.idx.msk vm2, v61  }
0xe1: {  	s9 =	sadd.s32 $0x7, s2;
	vm2 =	vmand vm3, vm0;
	v10 =	vmov s8;
	[tilespmem:v12+s21+$0x0] =	vst.idx.msk vm5, v62  }
0xe2: {  	s7 =	sadd.s32 $0x6, s2;
	vm3 =	vmand vm13, vm0;
	[tilespmem:v14+s21+$0x0] =	vst.idx.msk vm6, v10;
	v10 =	vmov s9  }
0xe3: {  	s8 =	sadd.s32 $0x3, s2;
	[tilespmem:v17+s21+$0x0] =	vst.idx.msk vm8, v10;
	v10 =	vmov s7  }
0xe4: {  	s10 =	sadd.s32 $0x1, s2;
	[tilespmem:v13+s21+$0x0] =	vst.idx.msk vm7, v10;
	v10 =	vmov s8  }
0xe5: {  	s9 =	sadd.s32 $0x2, s2;
	[tilespmem:v11+s21+$0x0] =	vst.idx.msk vm4, v10;
	v10 =	vmov s10  }
0xe6: {  	v63 =	vmov s9;
	[tilespmem:v5+s21+$0x0] =	vst.idx.msk vm1, v10  }
0xe7: {  	v5 =	vmov s0;
	[tilespmem:v6+s21+$0x0] =	vst.idx.msk vm2, v63  }
0xe8: {  	vm6 =	vmand vm15, vm0;
	[tilespmem:v23+s21+$0x0] =	vst.idx.msk vm3, v5  }
0xe9: {  	vm13 =	vmand vm9, vm0;
	v5 =	vld [tilespmem:$0x1FFF0];
	_ =	sdelay $0x1  }
0xea: {  	vm14 =	vmand vm14, vm0  }
0xeb: {  	s7 =	sadd.s32 $0x5, s0;
	vm1 =	vmand vm11, vm0  }
0xec: {  	vm15 =	vmand vm10, vm0;
	s9 =	sadd.s32 $0x6, s0;
	s8 =	sadd.s32 $0x7, s0;
	vm2 =	vmand vm12, vm0;
	v6 =	vmov s7  }
0xed: {  	s10 =	sadd.s32 $0x4, s0;
	s7 =	sadd.s32 $0x3, s0;
	[tilespmem:v55+s21+$0x0] =	vst.idx.msk vm6, v6;
	v6 =	vmov s9;
	vm3 =	vnez.u8 v5;
	v5 =	vmov s8;
	s9 =	spop (v2sf)  }
0xee: {  	s8 =	sadd.s32 $0x2, s0;
	vm3 =	vmand vm3, vm0;
	[tilespmem:v59+s21+$0x0] =	vst.idx.msk vm13, v5;
	v5 =	vmov s10;
	s10 =	sadd.s32 $0x1, s0;
	s0 =	sxor.u32 $0x80000000, s9  }
0xef: {  	p0 =	slt.s32 s0, $0x1  }
.Ltmp7:
0xf0: {  	[tilespmem:v57+s21+$0x0] =	vst.idx.msk vm14, v6;
	v6 =	vmov s7;
	(pc) =	sbr.rel @p0 .LBB2_9-.Ltmp7, $4  }
0xf1: {  	[tilespmem:v51+s21+$0x0] =	vst.idx.msk vm1, v6  }
0xf2: {  	[tilespmem:v53+s21+$0x0] =	vst.idx.msk vm2, v5;
	v5 =	vmov s8  }
0xf3: {  	v6 =	vmov s10;
	[tilespmem:v49+s21+$0x0] =	vst.idx.msk vm15, v5  }
0xf4: {  	[tilespmem:v22+s21+$0x0] =	vst.idx.msk vm3, v6  }
0xf5: {  	s2 =	simm.s32 $0x0  }
0xf6: {  	p3 =	seq.s32 s0, $0x1;
	v6 =	vmov s2  }
.Ltmp8:
0xf7: {  	_ = 	snop;
	(pc) =	sbr.rel @p3 .LBB2_15-.Ltmp8, $3  }
0xf8: {  	_ =	sdelay $0x1  }
0xf9: {  	p0 =	por $0x0, $0x0  }
0xfa: {  	v5 =	vimm.s32 $0x0;
	p1 =	por $0x0, $0x0;
	p2 =	por $0x0, $0x0;
	s2 =	simm.s32 $0x1;
	v13 =	vld.idx.msk [tilespmem:v6+s21+$0x0], $0xffff  }
0xfb: {  	v6 =	vmov s2;
	p3 =	seq.s32 s0, $0x2  }
.Ltmp9:
0xfc: {  	_ = 	snop;
	(pc) =	sbr.rel @p3 .LBB2_17-.Ltmp9, $3  }
0xfd: {  	_ =	sdelay $0x1  }
0xfe: {  	v10 =	vshll.u32 v13, $0x4  }
0xff: {  	s2 =	simm.s32 $0x2;
	p0 =	por $0x1, $0x1;
	v10 =	vor.u32 v2, v10;
	v13 =	vld.idx.msk [tilespmem:v6+s21+$0x0], $0xffff  }
0x100: {  	_ =	sdelay $0x3  }
0x101: {  	v11 =	vmov s2;
	v6 =	vld.idx.msk [tilespmem:v10+s22+$0x0], $0xffff;
	p3 =	seq.s32 s0, $0x3  }
.Ltmp10:
0x102: {  	_ = 	snop;
	(pc) =	sbr.rel @p3 .LBB2_19-.Ltmp10, $3  }
0x103: {  	_ =	sdelay $0x1  }
0x104: {  	v12 =	vshll.u32 v13, $0x4  }
0x105: {  	s2 =	simm.s32 $0x3;
	p1 =	por $0x1, $0x1;
	v12 =	vor.u32 v2, v12;
	v13 =	vld.idx.msk [tilespmem:v11+s21+$0x0], $0xffff;
	vm1 =	vle.f32 v6, v4  }
0x106: {  	_ =	sdelay $0x1  }
0x107: {  	v11 =	vsel vm1, $0x1, v1  }
0x108: {  	(xrf0) =	vadd.scan.msk.s32 $0xffff, v11;
	v11 =	vmov s2  }
0x109: {  	v14 =	vld.idx.msk [tilespmem:v12+s22+$0x0], $0xffff;
	p3 =	seq.s32 s0, $0x4  }
.Ltmp11:
0x10a: {  	v13 =	vshll.u32 v13, $0x4;
	(pc) =	sbr.rel @p3 .LBB2_21-.Ltmp11, $3  }
0x10b: {  	v19 =	vor.u32 v2, v13;
	_ =	sdelay $0x1  }
0x10c: {  	vm4 =	vmmov vm1;
	vm2 =	vmmov vm1;
	v16 =	vimm.s32 $0x0;
	v13 =	vld.idx.msk [tilespmem:v11+s21+$0x0], $0xffff  }
0x10d: {  	p2 =	por $0x1, $0x1;
	v15 =	vmov v6;
	s2 =	simm.s32 $0x4;
	vm3 =	vle.f32 v14, v4;
	v11 =	vmov v10;
	v18, _, _ =	vpop (xrf0)  }
.LBB2_22:
0x10e: {  	v17 =	vmov s2;
	v20 =	vsel vm3, $0x1, v1;
	v18 =	vadd.s32 v18, v16;
	v21 =	vmovc v11;
	v11 =	vmovc v12  }
0x10f: {  	s2 =	sadd.s32 $0x1, s2;
	v12 =	vmovc v19;
	vm5 =	vmmov vm4;
	vm4 =	vmmov vm3;
	v22 =	vld.idx.msk [tilespmem:v19+s22+$0x0], $0xffff;
	(xrf0) =	vadd.scan.msk.s32 $0xffff, v20;
	v20 =	vadd.s32 $0xFFFFFFFF, v18  }
0x110: {  	p3 =	seq.s32 s0, s2  }
.Ltmp12:
0x111: {  	v13 =	vshll.u32 v13, $0x4;
	(pc) =	sbr.rel @!p3 .LBB2_22-.Ltmp12, $4  }
0x112: {  	v19 =	vor.u32 v2, v13  }
0x113: {  	v13 =	vld.idx.msk [tilespmem:v17+s21+$0x0], $0xffff;
	v17 =	vmpcnt.ones.xlane vm5  }
0x114: {  	[tilespmem:v20+s23+$0x0] =	vst.idx.msk vm2, v15;
	v15 =	vmov v14;
	vm2 =	vmmov vm3  }
0x115: {  	vm3 =	vle.f32 v22, v4;
	v14 =	vmov v22;
	v18, _, _ =	vpop (xrf0);
	[tilespmem:v20+s24+$0x0] =	vst.idx.msk vm5, v21;
	v16 =	vadd.s32 v16, v17  }
0x116: {  	v17 =	vmov v12;
	v12 =	vmov v19  }
.LBB2_24:
0x117: {  	_ =	sdelay $0x2  }
0x118: {  	v13 =	vshll.u32 v13, $0x4  }
0x119: {  	v19 =	vld.idx.msk @p0 [tilespmem:v12+s22+$0x0], $0xffff;
	v13 =	vor.u32 v2, v13;
	_ =	sdelay $0x4  }
0x11a: {  	v20 =	vsel @p1 vm3, $0x1, v1;
	vm5 =	vle.f32 @p0 v19, v4;
	v21 =	vld.idx.msk [tilespmem:v13+s22+$0x0], $0xffff  }
0x11b: {  	(xrf0) =	vadd.scan.msk.s32 @p1 $0xffff, v20;
	vm1 =	vmmov @p0 vm5  }
0x11c: {  	vm4 =	vmmov @p2 vm4;
	v20 =	vsel @p0 vm1, $0x1, v1  }
0x11d: {  	(xrf0) =	vadd.scan.msk.s32 @p0 $0xffff, v20;
	v20 =	vmpcnt.ones.xlane @p2 vm4;
	_ =	sdelay $0x1  }
0x11e: {  	v18 =	vadd.s32 @p2 v18, v16;
	vm3 =	vmmov @p1 vm3;
	vm7 =	vle.f32 v21, v4  }
0x11f: {  	v10 =	vpsel p0, v12, v10;
	vm3 =	vmmov @p1 vm3;
	v62 =	vsel vm7, $0x1, v1  }
0x120: {  	vm5 =	vmmov @p1 vm3;
	vm1 =	vmmov @p0 vm1;
	v16 =	vadd.s32 @p2 v16, v20;
	v20, _, _ =	vpop @p1 (xrf0);
	(xrf0) =	vadd.scan.msk.s32 $0xffff, v62  }
0x121: {  	vm1 =	vmmov @p0 vm1;
	v4 =	vadd.s32 @p2 $0xFFFFFFFF, v18;
	v18 =	vmpcnt.ones.xlane @p1 vm5  }
0x122: {  	vm6 =	vmmov @p0 vm1;
	v16 =	vpsel p2, v16, v5;
	v20 =	vpsel p1, v20, v0  }
0x123: {  	v12, _, _ =	vpop @p0 (xrf0);
	v20 =	vadd.s32 @p1 v20, v16;
	v16 =	vadd.s32 @p1 v16, v18;
	v18 =	vmpcnt.ones.xlane @p0 vm6  }
0x124: {  	v20 =	vadd.s32 @p1 $0xFFFFFFFF, v20;
	v16 =	vpsel p1, v16, v5;
	v12 =	vpsel p0, v12, v0  }
0x125: {  	v12 =	vadd.s32 @p0 v12, v16;
	v16 =	vadd.s32 @p0 v16, v18  }
0x126: {  	v14 =	vpsel p1, v14, v0;
	v12 =	vadd.s32 @p0 $0xFFFFFFFF, v12;
	v5 =	vpsel p0, v16, v5;
	v63, _, _ =	vpop (xrf0)  }
0x127: {  	[tilespmem:v4+s23+$0x0] =	vst.idx.msk @p2 vm2, v15;
	v15 =	vpsel p1, v17, v0;
	v17 =	vmov @p0 v19;
	v16 =	vadd.s32 v63, v5  }
0x128: {  	vm2 =	vmmov vm7;
	[tilespmem:v4+s24+$0x0] =	vst.idx.msk @p2 vm4, v11;
	v4 =	vpsel p0, v17, v6;
	v6 =	vadd.s32 $0xFFFFFFFF, v16  }
0x129: {  	v11 =	vmov @p1 v15;
	[tilespmem:v20+s23+$0x0] =	vst.idx.msk @p1 vm3, v14  }
0x12a: {  	v4 =	vpsel p0, v4, v0;
	[tilespmem:v20+s24+$0x0] =	vst.idx.msk @p1 vm5, v11  }
0x12b: {  	v10 =	vpsel p0, v10, v0;
	vm15 =	vmmov vm2;
	[tilespmem:v12+s23+$0x0] =	vst.idx.msk @p0 vm1, v4  }
0x12c: {  	v4 =	vmpcnt.ones.xlane vm15;
	[tilespmem:v12+s24+$0x0] =	vst.idx.msk @p0 vm6, v10  }
0x12d: {  	[tilespmem:v6+s23+$0x0] =	vst.idx.msk vm7, v21  }
0x12e: {  	v4 =	vadd.s32 v5, v4;
	[tilespmem:v6+s24+$0x0] =	vst.idx.msk vm2, v13  }
.Ltmp13:
0x12f: {  	(pc) =	sbr.rel .LBB2_11-.Ltmp13, $2  }
0x130: {  	_ =	sdelay $0x2  }
0x131: {  	v4 =	vxor.u32 $0x80000000, v4  }
.LBB2_9:
0x132: {  	v4 =	vimm.s32 $0x80000000  }
.LBB2_11:
0x133: {  	(xrf0) =	vmax.scan.msk.u32 $0xffff, v4;
	_ =	sdelay $0x5  }
0x134: {  	v4, _, _ =	vpop (xrf0)  }
0x135: {  	(v2sf) =	vpush v4, $0xF;
	_ =	sdelay $0xe  }
0x136: {  	s0 =	spop (v2sf)  }
0x137: {  	s2 =	sxor.u32 $0x80000000, s0  }
0x138: {  	p1 =	sgt.s32 s0, $0xFFFFFFFF;
	s0 =	sand.u32 $0xF, s0;
	v4 =	vadd.s32 s2, v2;
	p0 =	slt.s32 s2, $0x1  }
0x139: {  	s6 =	sshra.s32 s2, $0x1F;
	p6 =	sne.s32 s0, $0x0;
	p0 =	por p1, p0  }
.Ltmp14:
0x13a: {  	s9 =	sshrl.u32 s6, $0x1C;
	p0 =	por !p6, !p0;
	(pc) =	sbr.rel .LBB2_12-.Ltmp14, $4  }
0x13b: {  	s0 =	sadd.s32 s9, s2;
	s2 =	simm.s32 $0x1;
	p0 =	por !p0, !p0  }
0x13c: {  	s0 =	sshra.s32 s0, $0x4;
	s2 =	simm.s32 @!p0 $0x0  }
0x13d: {  	[tilespmem:v4+s23+$0x0] =	vst.idx.msk $0xffff, v3;
	s10 =	ssub.s32 s0, s2  }
0x13e: {  	s2 =	simm.s32 $0x0;
	[tilespmem:$0x12580] =	vst v1;
	s0 =	sadd.s32 $0x1, s10;
	p0 =	slt.s32 s10, $0x0  }
.LBB2_13:
0x13f: {  	v5 =	vimm.s32 $0xC0000000;
	v4 =	vimm.s32 $0x40000000;
	v10 =	vimm.f32 $+Inf  }
.LBB2_32:
0x140: {  	(xrf0) =	vmin.scan.msk.f32 $0xffff, v10;
	_ =	sdelay $0x5  }
0x141: {  	v6, _, _ =	vpop (xrf0)  }
0x142: {  	v6 =	vbroadcast v6, $0xF;
	_ =	sdelay $0x1  }
0x143: {  	vm1 =	veq.f32 v10, v6;
	v6 =	vxor.u32 $0x80000000, v4  }
0x144: {  	v6 =	vnsel vm1, $0xC0000000, v6  }
0x145: {  	(xrf0) =	vmin.scan.msk.u32 $0xffff, v6;
	_ =	sdelay $0x5  }
0x146: {  	v6, _, _ =	vpop (xrf0)  }
0x147: {  	(v2sf) =	vpush v6, $0xF;
	_ =	sdelay $0xe  }
0x148: {  	s6 =	spop (v2sf)  }
0x149: {  	s6 =	sxor.u32 $0x80000000, s6  }
0x14a: {  	vm2 =	veq.s32 v4, s6  }
0x14b: {  	vm1 =	vmand vm1, vm2  }
0x14c: {  	v4 =	vnsel vm1, $0xC0000000, v5  }
0x14d: {  	(xrf0) =	vmin.scan.msk.u32 $0xffff, v4;
	_ =	sdelay $0x5  }
0x14e: {  	v4, _, _ =	vpop (xrf0)  }
0x14f: {  	(v2sf) =	vpush v4, $0xF;
	_ =	sdelay $0xd  }
0x150: {  	v4 =	vmov s2  }
0x151: {  	vm1 =	veq.s32 v4, v2;
	s7 =	spop (v2sf)  }
0x152: {  	s2 =	sadd.s32 $0x1, s2;
	s7 =	sxor.u32 $0x80000000, s7  }
0x153: {  	p1 =	sne.s32 s2, $0xC;
	v4 =	vmov s7  }
.Ltmp15:
0x154: {  	_ = 	snop;
	(pc) =	sbr.rel @!p1 .LBB2_33-.Ltmp15, $4  }
0x155: {  	_ = 	snop  }
0x156: {  	v5 =	vmov s6  }
0x157: {  	[tilespmem:v2+s25+$0x0] =	vst.idx.msk vm1, v5  }
0x158: {  	[tilespmem:v4+s23+$0x0] =	vst.idx.msk $0x1, v3  }
.LBB2_12:
.Ltmp16:
0x159: {  	(pc) =	sbr.rel @p0 .LBB2_13-.Ltmp16, $1  }
0x15a: {  	_ =	sdelay $0x3  }
0x15b: {  	p2 =	seq.s32 s0, $0x1  }
.Ltmp17:
0x15c: {  	_ = 	snop;
	(pc) =	sbr.rel @p2 .LBB2_26-.Ltmp17, $4  }
0x15d: {  	_ = 	snop  }
0x15e: {  	s8 =	simm.s32 $0xE480  }
0x15f: {  	s7 =	simm.s32 $0x10500;
	s6 =	simm.s32 $0x0;
	v10 =	vld [tilespmem:s8+$0x0]  }
0x160: {  	v4 =	vimm.f32 $+Inf;
	v6 =	vimm.s32 $0x40000000;
	p1 =	por $0x0, $0x0;
	v12 =	vld [tilespmem:s7+$0x0];
	s7 =	sadd.s32 $0xFFFFFFFF, s0;
	s8 =	simm.s32 $0xE490  }
0x161: {  	_ =	sdelay $0x1  }
0x162: {  	v13 =	vld [tilespmem:s8+$0x0];
	s8 =	simm.s32 $0x10510;
	p2 =	seq.s32 s7, $0x1  }
.Ltmp18:
0x163: {  	v14 =	vld [tilespmem:s8+$0x0];
	(pc) =	sbr.rel @p2 .LBB2_28-.Ltmp18, $4  }
0x164: {  	vm1 =	veq.f32 v10, v4;
	vm2 =	vlt.s32 v12, v6  }
0x165: {  	vm3 =	vlt.f32 v10, v4;
	vm1 =	vmand vm1, vm2  }
0x166: {  	s9 =	sadd.s32 $0xFFFFFFFF, s7;
	v5 =	vor.u32 s6, v2;
	vm1 =	vmor vm3, vm1  }
0x167: {  	s10 =	simm.s32 $0xE4A0;
	p1 =	por $0x1, $0x1;
	s7 =	simm.s32 $0x0;
	v4 =	vsel vm1, v10, v4;
	v11 =	vsel vm1, v12, v6;
	v5 =	vsel vm1, v5, v6  }
.LBB2_29:
0x168: {  	v6 =	vld [tilespmem:s10+$0x0];
	vm1 =	veq.f32 v13, v4;
	vm2 =	vlt.s32 v14, v11;
	s8 =	sadd.s32 $0x10, s8;
	v10 =	vmov v14;
	p2 =	seq.s32 s9, $0x1  }
.Ltmp19:
0x169: {  	s9 =	sadd.s32 $0xFFFFFFFF, s9;
	vm3 =	vlt.f32 v13, v4;
	s7 =	sadd.s32 $0x10, s7;
	v14 =	vld [tilespmem:s8+$0x0];
	vm1 =	vmand vm1, vm2;
	(pc) =	sbr.rel @!p2 .LBB2_29-.Ltmp19, $3  }
0x16a: {  	v12 =	vor.u32 s7, v2;
	vm1 =	vmor vm3, vm1  }
0x16b: {  	v4 =	vsel vm1, v13, v4;
	v11 =	vsel vm1, v10, v11;
	v5 =	vsel vm1, v12, v5;
	_ =	sdelay $0x1  }
0x16c: {  	s10 =	sadd.s32 $0x10, s10;
	v13 =	vmov v6  }
0x16d: {  	v10 =	vmov v13;
	v12 =	vmov v14;
	v6 =	vmov v11  }
.LBB2_31:
.Ltmp20:
0x16e: {  	vm1 =	veq.f32 v10, v4;
	vm2 =	vlt.s32 v12, v6;
	s7 =	sadd.s32 @p1 $0x10, s7;
	(pc) =	sbr.rel .LBB2_32-.Ltmp20, $4  }
0x16f: {  	vm3 =	vlt.f32 v10, v4;
	vm1 =	vmand vm1, vm2;
	s6 =	smov.u32 @p1 s7  }
0x170: {  	v11 =	vor.u32 s6, v2;
	vm1 =	vmor vm3, vm1  }
0x171: {  	v5 =	vsel vm1, v11, v5  }
0x172: {  	v10 =	vsel vm1, v10, v4;
	v4 =	vsel vm1, v12, v6;
	v5 =	vxor.u32 $0x80000000, v5  }
.LBB2_26:
.Ltmp21:
0x173: {  	(pc) =	sbr.rel .LBB2_31-.Ltmp21, $2  }
0x174: {  	_ =	sdelay $0x2  }
0x175: {  	s7 =	simm.s32 $0x0;
	v5 =	vimm.s32 $0x40000000  }
.LBB2_28:
.Ltmp22:
0x176: {  	(pc) =	sbr.rel .LBB2_31-.Ltmp22, $2  }
0x177: {  	_ =	sdelay $0x2  }
0x178: {  	v10 =	vmov v13;
	v12 =	vmov v14;
	v6 =	vmov v11;
	s7 =	simm.s32 $0x0  }
.LBB2_33:
0x179: {  	v5 =	vld [tilespmem:$0x12580];
	_ =	sdelay $0x7  }
0x17a: {  	s0 =	smul.u32 $0x60, s30;
	v4 =	vmul.u32 $0x3, v2;
	v10 =	vld.idx.msk [tilespmem:v5+s3+$0x0], $0xffff  }
0x17b: {  	s31 =	sor.u32 $0x1, s31;
	v11 =	vld.idx.msk [tilespmem:v5+s15+$0x0], $0xffff  }
0x17c: {  	s2 =	sor.u32 s5, s31;
	v13 =	vadd.s32 s0, v4;
	v12 =	vld.idx.msk [tilespmem:v5+s16+$0x0], $0xffff;
	v5 =	vadd.s32 $0x1, v4  }
0x17d: {  	v6 =	vadd.s32 $0x2, v4;
	s2 =	smin.u32 s2, $0x3FE;
	v14 =	vadd.s32 s0, v5  }
0x17e: {  	v15 =	vadd.s32 s0, v6;
	s7 =	sadd.s32 $0x1, s2  }
0x17f: {  	s2 =	sshll.u32 s7, $0xD;
	s0 =	sshll.u32 s7, $0x7;
	v9 =	vsub.f32 v10, v9  }
0x180: {  	s2 =	sand.u32 $0xFF0000, s2;
	s0 =	sand.u32 $0x380, s0;
	v8 =	vsub.f32 v11, v8  }
0x181: {  	s0 =	sor.u32 s0, s2;
	v7 =	vsub.f32 v12, v7;
	[tilespmem:v13+s26+$0x0] =	vst.idx.msk $0xfff, v9  }
0x182: {  	s2 =	sshrl.u32 s0, $0x3;
	[tilespmem:v14+s26+$0x0] =	vst.idx.msk $0xfff, v8  }
0x183: {  	s8 =	sadd.s32 $0x800000, s0;
	s2 =	sadd.s32 s1, s2;
	[tilespmem:v15+s26+$0x0] =	vst.idx.msk $0xfff, v7  }
0x184: {  	[tilespmem:s3], [sflag:$0x1] =	stream.strided.gather [hbm4b:s2+s13], $0x2000, s14, s13, $0x38;
	[tilespmem:$0x12C00] =	vst v63  }
0x185: {  	s0 =	sor.u32 $0x1000000, s0;
	s2 =	sshrl.u32 s8, $0x3  }
0x186: {  	s0 =	sshrl.u32 s0, $0x3;
	s2 =	sadd.s32 s1, s2  }
0x187: {  	[tilespmem:s15], [sflag:$0x1] =	stream.strided.gather [hbm4b:s2+s13], $0x2000, s14, s13, $0x38;
	[tilespmem:$0x12C00] =	vst v63  }
0x188: {  	s0 =	sadd.s32 s1, s0  }
0x189: {  	[tilespmem:s16], [sflag:$0x1] =	stream.strided.gather [hbm4b:s0+s13], $0x2000, s14, s13, $0x38;
	[tilespmem:$0x12C00] =	vst v63  }
0x18a: {  	s9 =	smul.u32 $0x3, s31;
	_ =	swait.ge [sflag:s28], $0x2000  }
0x18b: {  	[sflag:s28] =	ssyncset.done $0x0  }
0x18c: {  	s10 =	sadd.s32 $0x1, s9;
	[sflag:s28] =	ssyncadd.s32 $0xFFFFE000  }
0x18d: {  	v7 =	vmov s10;
	_ =	swait.ge [sflag:s28], $0x2000  }
0x18e: {  	v8 =	vmov s9;
	v9 =	vbroadcast v7, $0x0;
	[sflag:s28] =	ssyncset.done $0x0  }
0x18f: {  	s0 =	sadd.s32 $0x2, s9;
	[sflag:s28] =	ssyncadd.s32 $0xFFFFE000  }
0x190: {  	v10 =	vmov s0;
	_ =	swait.ge [sflag:s28], $0x2000  }
0x191: {  	[sflag:s28] =	ssyncset.done $0x0  }
0x192: {  	[sflag:s28] =	ssyncadd.s32 $0xFFFFE000  }
0x193: {  	v7 =	vld.idx.msk [tilespmem:v8+s11+$0x0], $0xffff  }
0x194: {  	v8 =	vld.idx.msk [tilespmem:v9+s11+$0x0], $0xffff  }
0x195: {  	s6 =	simm.s32 $0x8040;
	v9 =	vld.idx.msk [tilespmem:v10+s11+$0x0], $0xffff  }
0x196: {  	s0 =	simm.s32 $0xA040;
	v10 =	vld [tilespmem:s6+$0xFFFFFFE0]  }
0x197: {  	s2 =	simm.s32 $0x6040;
	v11 =	vld [tilespmem:s0+$0x30]  }
0x198: {  	v13 =	vld [tilespmem:s2+$0x30]  }
0x199: {  	v14 =	vld [tilespmem:s0+$0xFFFFFFF0]  }
0x19a: {  	v15 =	vld [tilespmem:s6+$0x30]  }
0x19b: {  	v17 =	vld [tilespmem:s2+$0x0]  }
0x19c: {  	v18 =	vld [tilespmem:s0+$0xFFFFFFE0]  }
0x19d: {  	v16 =	vld [tilespmem:s6+$0x0]  }
0x19e: {  	v19 =	vld [tilespmem:s6+$0xFFFFFFF0]  }
0x19f: {  	v20 =	vld [tilespmem:s0+$0xFFFFFFC0]  }
0x1a0: {  	v22 =	vld [tilespmem:s2+$0xFFFFFFC0]  }
0x1a1: {  	v27 =	vld [tilespmem:s6+$0xFFFFFFC0]  }
0x1a2: {  	v26 =	vld [tilespmem:s2+$0xFFFFFFE0];
	v10 =	vsub.f32 v10, v8  }
0x1a3: {  	v12 =	vld [tilespmem:s2+$0xFFFFFFD0];
	v21 =	vsub.f32 v13, v7;
	v25 =	vsub.f32 v11, v9  }
0x1a4: {  	v24 =	vld [tilespmem:s2+$0xFFFFFFF0];
	v15 =	vsub.f32 v15, v8;
	v16 =	vsub.f32 v16, v8  }
0x1a5: {  	v30 =	vld [tilespmem:s6+$0x20];
	v13 =	vimm.f32 $+Inf;
	v19 =	vsub.f32 v19, v8;
	v18 =	vsub.f32 v18, v9  }
0x1a6: {  	v23 =	vld [tilespmem:s6+$0xFFFFFFD0];
	v34 =	vsub.f32 v20, v9;
	v29 =	vsub.f32 v27, v8;
	v11 =	vmul.f32 v10, v10  }
0x1a7: {  	v33 =	vld [tilespmem:s6+$0x10];
	v28 =	vsub.f32 v26, v7;
	v10 =	vmul.f32 v21, v21;
	v15 =	vmul.f32 v15, v15  }
0x1a8: {  	v27 =	vld [tilespmem:s2+$0x20];
	v31 =	vmul.f32 v25, v25;
	v25 =	vsub.f32 v14, v9;
	v14 =	vsub.f32 v17, v7  }
0x1a9: {  	v21 =	vld [tilespmem:s0+$0x0];
	v10 =	vadd.f32 v15, v10;
	v15 =	vmul.f32 v18, v18;
	v18 =	vsub.f32 v24, v7  }
0x1aa: {  	v20 =	vsub.f32 v30, v8;
	v26 =	vld [tilespmem:s0+$0xFFFFFFD0];
	v32 =	vmul.f32 v19, v19;
	v17 =	vsub.f32 v22, v7  }
0x1ab: {  	v23 =	vsub.f32 v23, v8;
	v19 =	vld [tilespmem:s2+$0x10];
	v14 =	vmul.f32 v14, v14;
	v18 =	vmul.f32 v18, v18  }
0x1ac: {  	s7 =	simm.s32 $0x0;
	v22 =	vld [tilespmem:s0+$0x10];
	v24 =	vmul.f32 v25, v25;
	v25 =	vmul.f32 v17, v17;
	v10 =	vadd.f32 v31, v10  }
0x1ad: {  	s8 =	simm.s32 $0x80C0;
	s9 =	simm.s32 $0xC140;
	s6 =	simm.s32 $0xC0C0;
	v17 =	vmul.f32 v34, v34;
	v31 =	vsub.f32 v33, v8;
	v30 =	vadd.f32 v32, v18;
	v18 =	vld [tilespmem:s0+$0x20]  }
.LBB2_34:
0x1ae: {  	v32 =	vld [tilespmem:s8+$0xFFFFFFE0];
	s7 =	sadd.s32 $0x8, s7;
	v29 =	vmul.f32 v29, v29;
	v21 =	vsub.f32 v21, v9;
	v16 =	vmul.f32 v16, v16;
	s2 =	sadd.s32 $0x80, s2;
	s0 =	sadd.s32 $0x80, s0  }
0x1af: {  	v28 =	vmul.f32 v28, v28;
	v33 =	vld [tilespmem:s0+$0x30];
	p0 =	slt.u32 s7, $0x1F8;
	v31 =	vmul.f32 v31, v31;
	v27 =	vsub.f32 v27, v7  }
0x1b0: {  	v19 =	vsub.f32 v19, v7;
	v24 =	vadd.f32 v24, v30;
	v34 =	vld [tilespmem:s2+$0x30];
	v21 =	vmul.f32 v21, v21  }
0x1b1: {  	v25 =	vadd.f32 v29, v25;
	v22 =	vsub.f32 v22, v9;
	v30 =	vld [tilespmem:s0+$0xFFFFFFF0];
	v27 =	vmul.f32 v27, v27  }
0x1b2: {  	v12 =	vsub.f32 v12, v7;
	v20 =	vmul.f32 v20, v20;
	v26 =	vsub.f32 v26, v9;
	v29 =	vld [tilespmem:s8+$0x30];
	[tilespmem:s6+$0xFFFFFFF0] =	vst v24  }
0x1b3: {  	v23 =	vmul.f32 v23, v23;
	v28 =	vadd.f32 v11, v28;
	v32 =	vsub.f32 v32, v8;
	v35 =	vld [tilespmem:s2+$0x0]  }
0x1b4: {  	v12 =	vmul.f32 v12, v12;
	v22 =	vmul.f32 v22, v22;
	v36 =	vld [tilespmem:s0+$0xFFFFFFE0];
	v33 =	vsub.f32 v33, v9  }
0x1b5: {  	v26 =	vmul.f32 v26, v26;
	v20 =	vadd.f32 v20, v27;
	v37 =	vld [tilespmem:s8+$0x0];
	v34 =	vsub.f32 v34, v7  }
0x1b6: {  	v12 =	vadd.f32 v23, v12;
	v15 =	vadd.f32 v15, v28;
	v11 =	vmul.f32 v32, v32;
	v27 =	vld [tilespmem:s8+$0xFFFFFFF0]  }
0x1b7: {  	v19 =	vmul.f32 v19, v19;
	v17 =	vadd.f32 v17, v25;
	v18 =	vsub.f32 v18, v9;
	v23 =	vld [tilespmem:s0+$0xFFFFFFC0]  }
0x1b8: {  	v26 =	vadd.f32 v26, v12;
	v28 =	vsub.f32 v29, v8;
	v29 =	vmul.f32 v34, v34;
	v25 =	vld [tilespmem:s2+$0xFFFFFFC0];
	[tilespmem:s6+$0xFFFFFFE0] =	vst v15  }
0x1b9: {  	v14 =	vadd.f32 v16, v14;
	v13 =	vmin.f32 v13, v17;
	v32 =	vmul.f32 v33, v33;
	v12 =	vld [tilespmem:s2+$0xFFFFFFD0];
	[tilespmem:s6+$0xFFFFFFC0] =	vst v17  }
0x1ba: {  	v19 =	vadd.f32 v31, v19;
	v18 =	vmul.f32 v18, v18;
	v13 =	vmin.f32 v13, v26;
	v17 =	vld [tilespmem:s8+$0xFFFFFFD0];
	[tilespmem:s6+$0xFFFFFFD0] =	vst v26  }
0x1bb: {  	v14 =	vadd.f32 v21, v14;
	v13 =	vmin.f32 v13, v15;
	v16 =	vsub.f32 v37, v8;
	v26 =	vld [tilespmem:s2+$0xFFFFFFF0]  }
0x1bc: {  	v13 =	vmin.f32 v13, v24;
	v15 =	vsub.f32 v27, v8;
	v27 =	vmul.f32 v28, v28;
	v31 =	vld [tilespmem:s2+$0xFFFFFFE0];
	[tilespmem:s6+$0x30] =	vst v10  }
0x1bd: {  	v13 =	vmin.f32 v13, v14;
	v28 =	vsub.f32 v36, v9;
	v24 =	vld [tilespmem:s8+$0xFFFFFFC0];
	[tilespmem:s6+$0x0] =	vst v14;
	v14 =	vadd.f32 v22, v19  }
0x1be: {  	v18 =	vadd.f32 v18, v20;
	v22 =	vsub.f32 v30, v9;
	v30 =	vmul.f32 v15, v15;
	v33 =	vld [tilespmem:s8+$0x20]  }
0x1bf: {  	v19 =	vsub.f32 v35, v7;
	v34 =	vadd.f32 v27, v29;
	v21 =	vld [tilespmem:s0+$0x0];
	v13 =	vmin.f32 v13, v14  }
0x1c0: {  	v25 =	vsub.f32 v25, v7;
	v15 =	vmul.f32 v28, v28;
	v20 =	vsub.f32 v26, v7;
	v35 =	vld [tilespmem:s8+$0x10];
	[tilespmem:s6+$0x10] =	vst v14  }
.Ltmp23:
0x1c1: {  	v36 =	vsub.f32 v23, v9;
	v14 =	vmul.f32 v19, v19;
	v13 =	vmin.f32 v13, v18;
	v19 =	vld [tilespmem:s2+$0x10];
	[tilespmem:s6+$0x20] =	vst v18;
	s6 =	smov.u32 s9;
	(pc) =	sbr.rel @p0 .LBB2_34-.Ltmp23, $4  }
0x1c2: {  	v13 =	vmin.f32 v13, v10;
	v29 =	vsub.f32 v24, v8;
	v24 =	vmul.f32 v22, v22;
	v27 =	vld [tilespmem:s2+$0x20]  }
0x1c3: {  	v28 =	vsub.f32 v31, v7;
	v18 =	vmul.f32 v20, v20;
	v22 =	vld [tilespmem:s0+$0x10];
	v20 =	vsub.f32 v33, v8  }
0x1c4: {  	v25 =	vmul.f32 v25, v25;
	v23 =	vsub.f32 v17, v8;
	v10 =	vadd.f32 v32, v34;
	v26 =	vld [tilespmem:s0+$0xFFFFFFD0]  }
0x1c5: {  	v17 =	vmul.f32 v36, v36;
	s8 =	sadd.s32 $0x80, s8;
	s9 =	sadd.s32 $0x80, s9;
	v30 =	vadd.f32 v30, v18;
	v31 =	vsub.f32 v35, v8;
	v18 =	vld [tilespmem:s0+$0x20]  }
0x1c6: {  	v29 =	vmul.f32 v29, v29  }
0x1c7: {  	v21 =	vsub.f32 v21, v9;
	v16 =	vmul.f32 v16, v16;
	v28 =	vmul.f32 v28, v28  }
0x1c8: {  	v12 =	vsub.f32 v12, v7;
	v19 =	vsub.f32 v19, v7;
	v23 =	vmul.f32 v23, v23  }
0x1c9: {  	v20 =	vmul.f32 v20, v20;
	v31 =	vmul.f32 v31, v31;
	v27 =	vsub.f32 v27, v7  }
0x1ca: {  	v24 =	vadd.f32 v24, v30;
	v12 =	vmul.f32 v12, v12;
	v26 =	vsub.f32 v26, v9  }
0x1cb: {  	v21 =	vmul.f32 v21, v21;
	v25 =	vadd.f32 v29, v25;
	v22 =	vsub.f32 v22, v9  }
0x1cc: {  	v11 =	vadd.f32 v11, v28;
	v12 =	vadd.f32 v23, v12;
	v26 =	vmul.f32 v26, v26  }
0x1cd: {  	v14 =	vadd.f32 v16, v14;
	v27 =	vmul.f32 v27, v27;
	v17 =	vadd.f32 v17, v25  }
0x1ce: {  	v11 =	vadd.f32 v15, v11;
	v15 =	vmul.f32 v19, v19;
	v12 =	vadd.f32 v26, v12  }
0x1cf: {  	v22 =	vmul.f32 v22, v22;
	v18 =	vsub.f32 v18, v9;
	v13 =	vmin.f32 v13, v17  }
0x1d0: {  	[tilespmem:s6+$0x30] =	vst v10;
	v16 =	vadd.f32 v20, v27;
	v15 =	vadd.f32 v31, v15;
	v13 =	vmin.f32 v13, v12  }
0x1d1: {  	[tilespmem:s6+$0xFFFFFFE0] =	vst v11;
	v18 =	vmul.f32 v18, v18;
	v11 =	vmin.f32 v13, v11;
	v13 =	vadd.f32 v21, v14  }
0x1d2: {  	[tilespmem:s6+$0xFFFFFFF0] =	vst v24;
	v14 =	vadd.f32 v22, v15;
	v11 =	vmin.f32 v11, v24  }
0x1d3: {  	[tilespmem:s6+$0xFFFFFFD0] =	vst v12;
	v12 =	vadd.f32 v18, v16;
	v11 =	vmin.f32 v11, v13  }
0x1d4: {  	[tilespmem:s6+$0xFFFFFFC0] =	vst v17;
	v11 =	vmin.f32 v11, v14  }
0x1d5: {  	[tilespmem:s6+$0x20] =	vst v12;
	v11 =	vmin.f32 v11, v12  }
0x1d6: {  	[tilespmem:s6+$0x0] =	vst v13;
	v10 =	vmin.f32 v11, v10  }
0x1d7: {  	s0 =	simm.s32 $0xC0C0;
	[tilespmem:s6+$0x10] =	vst v14;
	(xrf0) =	vmax.scan.msk.f32 $0xffff, v10  }
0x1d8: {  	v14 =	vld [tilespmem:s0+$0x10]  }
0x1d9: {  	v15 =	vld [tilespmem:s0+$0x0]  }
0x1da: {  	v16 =	vld [tilespmem:s0+$0xFFFFFFF0]  }
0x1db: {  	v11 =	vld [tilespmem:s0+$0x20]  }
0x1dc: {  	v12 =	vld [tilespmem:s0+$0x30]  }
0x1dd: {  	v17 =	vld [tilespmem:s0+$0xFFFFFFC0];
	v10, _, _ =	vpop (xrf0)  }
0x1de: {  	v18 =	vld [tilespmem:s0+$0xFFFFFFD0];
	v10 =	vbroadcast v10, $0xF  }
0x1df: {  	v19 =	vld [tilespmem:s0+$0xFFFFFFE0]  }
0x1e0: {  	v13 =	vimm.s32 $0x0;
	vm1 =	vle.f32 v11, v10  }
0x1e1: {  	vm3 =	vle.f32 v15, v10;
	vm2 =	vle.f32 v14, v10;
	vm4 =	vle.f32 v12, v10  }
0x1e2: {  	vm5 =	vle.f32 v17, v10;
	vm6 =	vle.f32 v16, v10;
	v16 =	vmpcnt.ones.xlane vm1  }
0x1e3: {  	v11 =	vmpcnt.ones.xlane vm5;
	vm1 =	vle.f32 v18, v10;
	v21 =	vmpcnt.ones.xlane vm4  }
0x1e4: {  	v17 =	vmpcnt.ones.xlane vm2;
	v12 =	vmpcnt.ones.xlane vm1;
	vm1 =	vle.f32 v19, v10  }
0x1e5: {  	v15 =	vmpcnt.ones.xlane vm3;
	vm2 =	vgt.s32 v11, $0x0;
	v14 =	vmpcnt.ones.xlane vm1  }
0x1e6: {  	v18 =	vmpcnt.ones.xlane vm6;
	v11 =	vsel vm2, $0x1, v1;
	vm1 =	vgt.s32 v12, $0x0  }
0x1e7: {  	v11 =	vadd.s32 v11, v13;
	v12 =	vsel vm1, $0x1, v1;
	vm3 =	vgt.s32 v14, $0x0  }
0x1e8: {  	vm4 =	vgt.s32 v18, $0x0;
	v12 =	vadd.s32 v12, v11;
	v14 =	vsel vm3, $0x1, v1  }
0x1e9: {  	vm5 =	vgt.s32 v15, $0x0;
	v18 =	vsel vm4, $0x1, v1;
	v14 =	vadd.s32 v14, v12  }
0x1ea: {  	s6 =	simm.s32 $0xC140;
	vm6 =	vgt.s32 v17, $0x0;
	v15 =	vadd.s32 v18, v14;
	v18 =	vsel vm5, $0x1, v1  }
0x1eb: {  	v19 =	vld [tilespmem:s6+$0x20];
	vm7 =	vgt.s32 v16, $0x0;
	v20 =	vsel vm6, $0x1, v1;
	v17 =	vadd.s32 v18, v15  }
0x1ec: {  	s2 =	simm.s32 $0x0;
	s7 =	simm.s32 $0x10;
	s0 =	simm.s32 $0x8;
	vm8 =	vgt.s32 v21, $0x0;
	v18 =	vld [tilespmem:s6+$0x30];
	v16 =	vadd.s32 v20, v17;
	v20 =	vsel vm7, $0x1, v1  }
.LBB2_36:
0x1ed: {  	p0 =	slt.u32 s7, $0x1F8;
	v21 =	vld [tilespmem:s6+$0x10];
	vm11 =	vmand vm2, vm0;
	v20 =	vadd.s32 v20, v16;
	v22 =	vsel vm8, $0x1, v1  }
0x1ee: {  	vm9 =	vmand vm1, vm0;
	vm10 =	vmand vm3, vm0;
	v23 =	vld [tilespmem:s6+$0x0];
	v22 =	vadd.s32 v22, v20  }
0x1ef: {  	vm3 =	vmand vm4, vm0;
	vm1 =	vmand vm5, vm0;
	vm4 =	vmand vm6, vm0;
	v24 =	vld [tilespmem:s6+$0xFFFFFFF0]  }
0x1f0: {  	s8 =	sadd.s32 $0x1, s2;
	s9 =	sadd.s32 $0x2, s2;
	vm2 =	vmand vm7, vm0;
	vm5 =	vmand vm8, vm0;
	v25 =	vld [tilespmem:s6+$0xFFFFFFC0]  }
0x1f1: {  	v27 =	vmov s2;
	s10 =	sadd.s32 $0x5, s2;
	v28 =	vmov s8;
	v29 =	vmov s9;
	s8 =	sadd.s32 $0x3, s2;
	s9 =	sadd.s32 $0x4, s2;
	v26 =	vld [tilespmem:s6+$0xFFFFFFD0]  }
0x1f2: {  	v33 =	vmov s10;
	v31 =	vmov s8;
	v32 =	vmov s9;
	s8 =	sadd.s32 $0x6, s2;
	s9 =	sadd.s32 $0x7, s2;
	s2 =	smov.u32 s0;
	v30 =	vld [tilespmem:s6+$0xFFFFFFE0]  }
0x1f3: {  	s0 =	smov.u32 s7;
	vm6 =	vle.f32 v19, v10;
	v19 =	vmov s8;
	[tilespmem:v13+s21+$0x0] =	vst.idx.msk vm11, v27;
	v27 =	vmov s9;
	v13 =	vmovc v22  }
0x1f4: {  	vm8 =	vle.f32 v21, v10;
	vm7 =	vle.f32 v23, v10;
	vm11 =	vle.f32 v18, v10  }
0x1f5: {  	v18 =	vmpcnt.ones.xlane vm6;
	vm13 =	vle.f32 v24, v10;
	vm12 =	vle.f32 v25, v10;
	[tilespmem:v17+s21+$0x0] =	vst.idx.msk vm4, v33  }
0x1f6: {  	v21 =	vmpcnt.ones.xlane vm11;
	v17 =	vmpcnt.ones.xlane vm12;
	vm4 =	vle.f32 v26, v10;
	[tilespmem:v20+s21+$0x0] =	vst.idx.msk vm5, v27  }
0x1f7: {  	v23 =	vmpcnt.ones.xlane vm8;
	v20 =	vmpcnt.ones.xlane vm4;
	vm4 =	vle.f32 v30, v10;
	[tilespmem:v16+s21+$0x0] =	vst.idx.msk vm2, v19  }
0x1f8: {  	vm2 =	vgt.s32 v17, $0x0;
	v16 =	vmpcnt.ones.xlane vm4;
	v17 =	vmpcnt.ones.xlane vm7;
	[tilespmem:v15+s21+$0x0] =	vst.idx.msk vm1, v32  }
0x1f9: {  	v19 =	vmpcnt.ones.xlane vm13;
	v15 =	vsel vm2, $0x1, v1;
	vm1 =	vgt.s32 v20, $0x0;
	[tilespmem:v14+s21+$0x0] =	vst.idx.msk vm3, v31  }
0x1fa: {  	v14 =	vadd.s32 v15, v22;
	v15 =	vsel vm1, $0x1, v1;
	vm3 =	vgt.s32 v16, $0x0;
	[tilespmem:v12+s21+$0x0] =	vst.idx.msk vm10, v29  }
.Ltmp24:
0x1fb: {  	vm4 =	vgt.s32 v19, $0x0;
	v12 =	vadd.s32 v15, v14;
	v15 =	vsel vm3, $0x1, v1;
	[tilespmem:v11+s21+$0x0] =	vst.idx.msk vm9, v28;
	v11 =	vmovc v14;
	(pc) =	sbr.rel @p0 .LBB2_36-.Ltmp24, $4  }
0x1fc: {  	vm5 =	vgt.s32 v17, $0x0;
	v14 =	vadd.s32 v15, v12;
	v15 =	vsel vm4, $0x1, v1  }
0x1fd: {  	s6 =	sadd.s32 $0x80, s6;
	vm6 =	vgt.s32 v23, $0x0;
	v16 =	vsel vm5, $0x1, v1;
	v15 =	vadd.s32 v15, v14  }
0x1fe: {  	vm7 =	vgt.s32 v18, $0x0;
	v19 =	vld [tilespmem:s6+$0x20];
	v17 =	vadd.s32 v16, v15;
	v16 =	vsel vm6, $0x1, v1  }
0x1ff: {  	s7 =	sadd.s32 $0x8, s7;
	vm8 =	vgt.s32 v21, $0x0;
	v20 =	vsel vm7, $0x1, v1;
	v18 =	vld [tilespmem:s6+$0x30];
	v16 =	vadd.s32 v16, v17  }
0x200: {  	v21 =	vld [tilespmem:s6+$0x10]  }
0x201: {  	v22 =	vld [tilespmem:s6+$0x0]  }
0x202: {  	v24 =	vld [tilespmem:s6+$0xFFFFFFC0]  }
0x203: {  	v25 =	vld [tilespmem:s6+$0xFFFFFFD0]  }
0x204: {  	v27 =	vld [tilespmem:s6+$0xFFFFFFE0]  }
0x205: {  	v23 =	vld [tilespmem:s6+$0xFFFFFFF0];
	v20 =	vadd.s32 v20, v16;
	v26 =	vsel vm8, $0x1, v1;
	v37 =	vimm.s32 $0x0  }
0x206: {  	v26 =	vadd.s32 v26, v20;
	vm9 =	vle.f32 v19, v10;
	vm12 =	vle.f32 v18, v10  }
0x207: {  	v63 =	vmpcnt.ones.xlane vm9;
	vm10 =	vle.f32 v22, v10;
	vm11 =	vle.f32 v21, v10  }
0x208: {  	vm13 =	vle.f32 v24, v10;
	vm15 =	vle.f32 v25, v10;
	v31 =	vmpcnt.ones.xlane vm12  }
0x209: {  	vm9 =	vle.f32 v27, v10;
	v30 =	vmpcnt.ones.xlane vm13;
	v32 =	vmpcnt.ones.xlane vm15  }
0x20a: {  	vm14 =	vle.f32 v23, v10;
	v33 =	vmpcnt.ones.xlane vm11;
	v34 =	vmpcnt.ones.xlane vm9  }
0x20b: {  	v35 =	vmpcnt.ones.xlane vm10;
	v38 =	vmpcnt.ones.xlane vm14;
	vm13 =	vgt.s32 v30, $0x0  }
0x20c: {  	vm12 =	vgt.s32 v32, $0x0;
	vm10 =	vgt.s32 v34, $0x0;
	v36 =	vsel vm13, $0x1, v1  }
0x20d: {  	vm11 =	vgt.s32 v38, $0x0;
	v39 =	vsel vm12, $0x1, v1;
	v25 =	vadd.s32 v36, v26  }
0x20e: {  	v22 =	vsel vm12, $0xFFFFFFFF, v37;
	v41 =	vsel vm10, $0x1, v1;
	v40 =	vadd.s32 v39, v25  }
0x20f: {  	v43 =	vsel vm11, $0x1, v1;
	vm12 =	vgt.s32 v35, $0x0;
	v42 =	vadd.s32 v41, v40  }
0x210: {  	vm15 =	vgt.s32 v33, $0x0;
	v45 =	vsel vm12, $0x1, v1;
	v44 =	vadd.s32 v43, v42  }
0x211: {  	vm14 =	vgt.s32 v63, $0x0;
	v47 =	vsel vm15, $0x1, v1;
	v46 =	vadd.s32 v45, v44  }
0x212: {  	v49 =	vsel vm14, $0x1, v1;
	vm9 =	vgt.s32 v31, $0x0;
	v48 =	vadd.s32 v47, v46  }
0x213: {  	v51 =	vsel vm9, $0x1, v1;
	v50 =	vadd.s32 v49, v48  }
0x214: {  	v27 =	vadd.s32 v51, v50  }
0x215: {  	v27 =	vxor.u32 $0x80000000, v27  }
0x216: {  	(xrf0) =	vmax.scan.msk.u32 $0xffff, v27;
	_ =	sdelay $0x1  }
0x217: {  	vm2 =	vmand vm2, vm0  }
0x218: {  	vm6 =	vmand vm6, vm0  }
0x219: {  	vm8 =	vmand vm8, vm0  }
0x21a: {  	vm7 =	vmand vm7, vm0  }
0x21b: {  	vm5 =	vmand vm5, vm0;
	v27, _, _ =	vpop (xrf0)  }
0x21c: {  	vm4 =	vmand vm4, vm0;
	v52 =	vmov s2;
	s8 =	sadd.s32 $0x5, s2;
	[tilespmem:$0x1FFE0] =	vst v22;
	(v2sf) =	vpush v27, $0xF  }
0x21d: {  	s9 =	sadd.s32 $0x7, s2;
	vm1 =	vmand vm1, vm0;
	v53 =	vmov s8;
	[tilespmem:v13+s21+$0x0] =	vst.idx.msk vm2, v52  }
0x21e: {  	s7 =	sadd.s32 $0x6, s2;
	v54 =	vmov s9;
	vm2 =	vmand vm3, vm0;
	[tilespmem:v17+s21+$0x0] =	vst.idx.msk vm6, v53  }
0x21f: {  	s10 =	sadd.s32 $0x4, s2;
	v55 =	vmov s7;
	[tilespmem:v20+s21+$0x0] =	vst.idx.msk vm8, v54;
	vm3 =	vmand vm13, vm0  }
0x220: {  	s8 =	sadd.s32 $0x3, s2;
	v56 =	vmov s10;
	[tilespmem:v16+s21+$0x0] =	vst.idx.msk vm7, v55  }
0x221: {  	s10 =	sadd.s32 $0x1, s2;
	v57 =	vmov s8;
	[tilespmem:v15+s21+$0x0] =	vst.idx.msk vm5, v56  }
0x222: {  	s9 =	sadd.s32 $0x2, s2;
	v59 =	vmov s10;
	[tilespmem:v14+s21+$0x0] =	vst.idx.msk vm4, v57  }
0x223: {  	v58 =	vmov s9;
	[tilespmem:v11+s21+$0x0] =	vst.idx.msk vm1, v59  }
0x224: {  	v11 =	vmov s0;
	[tilespmem:v12+s21+$0x0] =	vst.idx.msk vm2, v58  }
0x225: {  	[tilespmem:v26+s21+$0x0] =	vst.idx.msk vm3, v11  }
0x226: {  	vm13 =	vmand vm9, vm0;
	v11 =	vld [tilespmem:$0x1FFE0]  }
0x227: {  	vm1 =	vmand vm11, vm0  }
0x228: {  	vm6 =	vmand vm15, vm0  }
0x229: {  	s7 =	sadd.s32 $0x5, s0;
	s9 =	sadd.s32 $0x6, s0;
	vm14 =	vmand vm14, vm0  }
0x22a: {  	v60 =	vmov s7;
	s8 =	sadd.s32 $0x7, s0;
	v61 =	vmov s9;
	vm2 =	vmand vm12, vm0  }
0x22b: {  	s10 =	sadd.s32 $0x4, s0;
	s7 =	sadd.s32 $0x3, s0;
	vm15 =	vmand vm10, vm0;
	vm3 =	vnez.u8 v11;
	v11 =	vmov s8;
	s9 =	spop (v2sf)  }
0x22c: {  	v62 =	vmov s7;
	s8 =	sadd.s32 $0x2, s0;
	vm3 =	vmand vm3, vm0;
	[tilespmem:v50+s21+$0x0] =	vst.idx.msk vm13, v11;
	v11 =	vmov s10;
	s10 =	sadd.s32 $0x1, s0;
	s0 =	sxor.u32 $0x80000000, s9  }
0x22d: {  	[tilespmem:v42+s21+$0x0] =	vst.idx.msk vm1, v62;
	p0 =	slt.s32 s0, $0x1  }
.Ltmp25:
0x22e: {  	[tilespmem:v46+s21+$0x0] =	vst.idx.msk vm6, v60;
	(pc) =	sbr.rel @p0 .LBB2_38-.Ltmp25, $4  }
0x22f: {  	[tilespmem:v48+s21+$0x0] =	vst.idx.msk vm14, v61  }
0x230: {  	[tilespmem:v44+s21+$0x0] =	vst.idx.msk vm2, v11;
	v11 =	vmov s8  }
0x231: {  	v63 =	vmov s10;
	[tilespmem:v40+s21+$0x0] =	vst.idx.msk vm15, v11  }
0x232: {  	[tilespmem:v25+s21+$0x0] =	vst.idx.msk vm3, v63  }
0x233: {  	s2 =	simm.s32 $0x0  }
0x234: {  	p3 =	seq.s32 s0, $0x1;
	v12 =	vmov s2  }
.Ltmp26:
0x235: {  	_ = 	snop;
	(pc) =	sbr.rel @p3 .LBB2_44-.Ltmp26, $3  }
0x236: {  	_ =	sdelay $0x1  }
0x237: {  	p0 =	por $0x0, $0x0  }
0x238: {  	v11 =	vimm.s32 $0x0;
	p1 =	por $0x0, $0x0;
	p2 =	por $0x0, $0x0;
	s2 =	simm.s32 $0x1;
	v16 =	vld.idx.msk [tilespmem:v12+s21+$0x0], $0xffff  }
0x239: {  	v12 =	vmov s2;
	p3 =	seq.s32 s0, $0x2  }
.Ltmp27:
0x23a: {  	_ = 	snop;
	(pc) =	sbr.rel @p3 .LBB2_46-.Ltmp27, $3  }
0x23b: {  	_ =	sdelay $0x1  }
0x23c: {  	v13 =	vshll.u32 v16, $0x4  }
0x23d: {  	s2 =	simm.s32 $0x2;
	p0 =	por $0x1, $0x1;
	v13 =	vor.u32 v2, v13;
	v16 =	vld.idx.msk [tilespmem:v12+s21+$0x0], $0xffff  }
0x23e: {  	_ =	sdelay $0x3  }
0x23f: {  	v14 =	vmov s2;
	v12 =	vld.idx.msk [tilespmem:v13+s22+$0x0], $0xffff;
	p3 =	seq.s32 s0, $0x3  }
.Ltmp28:
0x240: {  	_ = 	snop;
	(pc) =	sbr.rel @p3 .LBB2_48-.Ltmp28, $3  }
0x241: {  	_ =	sdelay $0x1  }
0x242: {  	v15 =	vshll.u32 v16, $0x4  }
0x243: {  	s2 =	simm.s32 $0x3;
	p1 =	por $0x1, $0x1;
	v15 =	vor.u32 v2, v15;
	v16 =	vld.idx.msk [tilespmem:v14+s21+$0x0], $0xffff;
	vm1 =	vle.f32 v12, v10  }
0x244: {  	_ =	sdelay $0x1  }
0x245: {  	v14 =	vsel vm1, $0x1, v1  }
0x246: {  	(xrf0) =	vadd.scan.msk.s32 $0xffff, v14;
	v14 =	vmov s2  }
0x247: {  	v17 =	vld.idx.msk [tilespmem:v15+s22+$0x0], $0xffff;
	p3 =	seq.s32 s0, $0x4  }
.Ltmp29:
0x248: {  	v16 =	vshll.u32 v16, $0x4;
	(pc) =	sbr.rel @p3 .LBB2_50-.Ltmp29, $3  }
0x249: {  	v22 =	vor.u32 v2, v16;
	_ =	sdelay $0x1  }
0x24a: {  	vm4 =	vmmov vm1;
	vm2 =	vmmov vm1;
	v19 =	vimm.s32 $0x0;
	v16 =	vld.idx.msk [tilespmem:v14+s21+$0x0], $0xffff  }
0x24b: {  	p2 =	por $0x1, $0x1;
	v18 =	vmov v12;
	s2 =	simm.s32 $0x4;
	vm3 =	vle.f32 v17, v10;
	v14 =	vmov v13;
	v21, _, _ =	vpop (xrf0)  }
.LBB2_51:
0x24c: {  	v20 =	vmov s2;
	v23 =	vsel vm3, $0x1, v1;
	v21 =	vadd.s32 v21, v19;
	v24 =	vmovc v14;
	v14 =	vmovc v15  }
0x24d: {  	s2 =	sadd.s32 $0x1, s2;
	v15 =	vmovc v22;
	vm5 =	vmmov vm4;
	vm4 =	vmmov vm3;
	v25 =	vld.idx.msk [tilespmem:v22+s22+$0x0], $0xffff;
	(xrf0) =	vadd.scan.msk.s32 $0xffff, v23;
	v23 =	vadd.s32 $0xFFFFFFFF, v21  }
0x24e: {  	p3 =	seq.s32 s0, s2  }
.Ltmp30:
0x24f: {  	v16 =	vshll.u32 v16, $0x4;
	(pc) =	sbr.rel @!p3 .LBB2_51-.Ltmp30, $4  }
0x250: {  	v22 =	vor.u32 v2, v16  }
0x251: {  	v16 =	vld.idx.msk [tilespmem:v20+s21+$0x0], $0xffff;
	v20 =	vmpcnt.ones.xlane vm5  }
0x252: {  	[tilespmem:v23+s23+$0x0] =	vst.idx.msk vm2, v18;
	v18 =	vmov v17;
	vm2 =	vmmov vm3  }
0x253: {  	vm3 =	vle.f32 v25, v10;
	v17 =	vmov v25;
	v21, _, _ =	vpop (xrf0);
	[tilespmem:v23+s24+$0x0] =	vst.idx.msk vm5, v24;
	v19 =	vadd.s32 v19, v20  }
0x254: {  	v20 =	vmov v15;
	v15 =	vmov v22  }
.LBB2_53:
0x255: {  	_ =	sdelay $0x2  }
0x256: {  	v16 =	vshll.u32 v16, $0x4  }
0x257: {  	v22 =	vld.idx.msk @p0 [tilespmem:v15+s22+$0x0], $0xffff;
	v16 =	vor.u32 v2, v16;
	_ =	sdelay $0x4  }
0x258: {  	v23 =	vsel @p1 vm3, $0x1, v1;
	vm5 =	vle.f32 @p0 v22, v10;
	v24 =	vld.idx.msk [tilespmem:v16+s22+$0x0], $0xffff  }
0x259: {  	(xrf0) =	vadd.scan.msk.s32 @p1 $0xffff, v23;
	vm1 =	vmmov @p0 vm5  }
0x25a: {  	vm4 =	vmmov @p2 vm4;
	v23 =	vsel @p0 vm1, $0x1, v1  }
0x25b: {  	(xrf0) =	vadd.scan.msk.s32 @p0 $0xffff, v23;
	v23 =	vmpcnt.ones.xlane @p2 vm4;
	_ =	sdelay $0x1  }
0x25c: {  	v21 =	vadd.s32 @p2 v21, v19;
	vm3 =	vmmov @p1 vm3;
	vm7 =	vle.f32 v24, v10  }
0x25d: {  	v13 =	vpsel p0, v15, v13;
	vm3 =	vmmov @p1 vm3;
	v61 =	vsel vm7, $0x1, v1  }
0x25e: {  	vm5 =	vmmov @p1 vm3;
	vm1 =	vmmov @p0 vm1;
	v19 =	vadd.s32 @p2 v19, v23;
	v23, _, _ =	vpop @p1 (xrf0);
	(xrf0) =	vadd.scan.msk.s32 $0xffff, v61  }
0x25f: {  	vm1 =	vmmov @p0 vm1;
	v10 =	vadd.s32 @p2 $0xFFFFFFFF, v21;
	v21 =	vmpcnt.ones.xlane @p1 vm5  }
0x260: {  	vm6 =	vmmov @p0 vm1;
	v19 =	vpsel p2, v19, v11;
	v23 =	vpsel p1, v23, v0  }
0x261: {  	v15, _, _ =	vpop @p0 (xrf0);
	v23 =	vadd.s32 @p1 v23, v19;
	v19 =	vadd.s32 @p1 v19, v21;
	v21 =	vmpcnt.ones.xlane @p0 vm6  }
0x262: {  	v23 =	vadd.s32 @p1 $0xFFFFFFFF, v23;
	v19 =	vpsel p1, v19, v11;
	v15 =	vpsel p0, v15, v0  }
0x263: {  	v15 =	vadd.s32 @p0 v15, v19;
	v19 =	vadd.s32 @p0 v19, v21  }
0x264: {  	v15 =	vadd.s32 @p0 $0xFFFFFFFF, v15;
	v11 =	vpsel p0, v19, v11;
	v62, _, _ =	vpop (xrf0)  }
0x265: {  	v17 =	vpsel p1, v17, v0;
	[tilespmem:v10+s23+$0x0] =	vst.idx.msk @p2 vm2, v18;
	v19 =	vadd.s32 v62, v11  }
0x266: {  	v18 =	vpsel p1, v20, v0;
	v20 =	vmovc @p0 v22;
	vm2 =	vmmov vm7;
	[tilespmem:v10+s24+$0x0] =	vst.idx.msk @p2 vm4, v14;
	v63 =	vadd.s32 $0xFFFFFFFF, v19  }
0x267: {  	v10 =	vpsel p0, v20, v12;
	v14 =	vmov @p1 v18;
	[tilespmem:v23+s23+$0x0] =	vst.idx.msk @p1 vm3, v17  }
0x268: {  	v10 =	vpsel p0, v10, v0;
	[tilespmem:v23+s24+$0x0] =	vst.idx.msk @p1 vm5, v14  }
0x269: {  	v13 =	vpsel p0, v13, v0;
	vm15 =	vmmov vm2;
	[tilespmem:v15+s23+$0x0] =	vst.idx.msk @p0 vm1, v10  }
0x26a: {  	v10 =	vmpcnt.ones.xlane vm15;
	[tilespmem:v15+s24+$0x0] =	vst.idx.msk @p0 vm6, v13  }
0x26b: {  	[tilespmem:v63+s23+$0x0] =	vst.idx.msk vm7, v24  }
0x26c: {  	v10 =	vadd.s32 v11, v10;
	[tilespmem:v63+s24+$0x0] =	vst.idx.msk vm2, v16  }
.Ltmp31:
0x26d: {  	(pc) =	sbr.rel .LBB2_40-.Ltmp31, $2  }
0x26e: {  	_ =	sdelay $0x2  }
0x26f: {  	v10 =	vxor.u32 $0x80000000, v10  }
.LBB2_38:
0x270: {  	v10 =	vimm.s32 $0x80000000  }
.LBB2_40:
0x271: {  	(xrf0) =	vmax.scan.msk.u32 $0xffff, v10;
	_ =	sdelay $0x5  }
0x272: {  	v10, _, _ =	vpop (xrf0)  }
0x273: {  	(v2sf) =	vpush v10, $0xF;
	_ =	sdelay $0xe  }
0x274: {  	s0 =	spop (v2sf)  }
0x275: {  	s2 =	sxor.u32 $0x80000000, s0  }
0x276: {  	p1 =	sgt.s32 s0, $0xFFFFFFFF;
	s0 =	sand.u32 $0xF, s0;
	v10 =	vadd.s32 s2, v2;
	p0 =	slt.s32 s2, $0x1  }
0x277: {  	s6 =	sshra.s32 s2, $0x1F;
	p6 =	sne.s32 s0, $0x0;
	p0 =	por p1, p0  }
.Ltmp32:
0x278: {  	s9 =	sshrl.u32 s6, $0x1C;
	p0 =	por !p6, !p0;
	(pc) =	sbr.rel .LBB2_41-.Ltmp32, $4  }
0x279: {  	s0 =	sadd.s32 s9, s2;
	s2 =	simm.s32 $0x1;
	p0 =	por !p0, !p0  }
0x27a: {  	s0 =	sshra.s32 s0, $0x4;
	s2 =	simm.s32 @!p0 $0x0  }
0x27b: {  	[tilespmem:v10+s23+$0x0] =	vst.idx.msk $0xffff, v3;
	s10 =	ssub.s32 s0, s2  }
0x27c: {  	s2 =	simm.s32 $0x0;
	[tilespmem:$0x12580] =	vst v1;
	s0 =	sadd.s32 $0x1, s10;
	p0 =	slt.s32 s10, $0x0  }
.LBB2_42:
0x27d: {  	v11 =	vimm.s32 $0xC0000000;
	v10 =	vimm.s32 $0x40000000;
	v13 =	vimm.f32 $+Inf  }
.LBB2_61:
0x27e: {  	(xrf0) =	vmin.scan.msk.f32 $0xffff, v13;
	_ =	sdelay $0x5  }
0x27f: {  	v12, _, _ =	vpop (xrf0)  }
0x280: {  	v12 =	vbroadcast v12, $0xF;
	_ =	sdelay $0x1  }
0x281: {  	v63 =	vxor.u32 $0x80000000, v10;
	vm1 =	veq.f32 v13, v12  }
0x282: {  	v12 =	vnsel vm1, $0xC0000000, v63  }
0x283: {  	(xrf0) =	vmin.scan.msk.u32 $0xffff, v12;
	_ =	sdelay $0x5  }
0x284: {  	v12, _, _ =	vpop (xrf0)  }
0x285: {  	(v2sf) =	vpush v12, $0xF;
	_ =	sdelay $0xe  }
0x286: {  	s6 =	spop (v2sf)  }
0x287: {  	s6 =	sxor.u32 $0x80000000, s6  }
0x288: {  	vm2 =	veq.s32 v10, s6  }
0x289: {  	vm1 =	vmand vm1, vm2  }
0x28a: {  	v10 =	vnsel vm1, $0xC0000000, v11  }
0x28b: {  	(xrf0) =	vmin.scan.msk.u32 $0xffff, v10;
	_ =	sdelay $0x5  }
0x28c: {  	v10, _, _ =	vpop (xrf0)  }
0x28d: {  	(v2sf) =	vpush v10, $0xF;
	_ =	sdelay $0xd  }
0x28e: {  	v10 =	vmov s2  }
0x28f: {  	vm1 =	veq.s32 v10, v2;
	s7 =	spop (v2sf)  }
0x290: {  	s2 =	sadd.s32 $0x1, s2;
	s7 =	sxor.u32 $0x80000000, s7  }
0x291: {  	p1 =	sne.s32 s2, $0xC;
	v10 =	vmov s7  }
.Ltmp33:
0x292: {  	_ = 	snop;
	(pc) =	sbr.rel @!p1 .LBB2_62-.Ltmp33, $4  }
0x293: {  	_ = 	snop  }
0x294: {  	v11 =	vmov s6  }
0x295: {  	[tilespmem:v2+s25+$0x0] =	vst.idx.msk vm1, v11  }
0x296: {  	[tilespmem:v10+s23+$0x0] =	vst.idx.msk $0x1, v3  }
.LBB2_41:
.Ltmp34:
0x297: {  	(pc) =	sbr.rel @p0 .LBB2_42-.Ltmp34, $1  }
0x298: {  	_ =	sdelay $0x3  }
0x299: {  	p2 =	seq.s32 s0, $0x1  }
.Ltmp35:
0x29a: {  	_ = 	snop;
	(pc) =	sbr.rel @p2 .LBB2_55-.Ltmp35, $4  }
0x29b: {  	_ = 	snop  }
0x29c: {  	s8 =	simm.s32 $0xE480  }
0x29d: {  	s7 =	simm.s32 $0x10500;
	s6 =	simm.s32 $0x0;
	v13 =	vld [tilespmem:s8+$0x0]  }
0x29e: {  	v10 =	vimm.f32 $+Inf;
	v12 =	vimm.s32 $0x40000000;
	p1 =	por $0x0, $0x0;
	v15 =	vld [tilespmem:s7+$0x0];
	s7 =	sadd.s32 $0xFFFFFFFF, s0;
	s8 =	simm.s32 $0xE490  }
0x29f: {  	_ =	sdelay $0x1  }
0x2a0: {  	v16 =	vld [tilespmem:s8+$0x0];
	s8 =	simm.s32 $0x10510;
	p2 =	seq.s32 s7, $0x1  }
.Ltmp36:
0x2a1: {  	v17 =	vld [tilespmem:s8+$0x0];
	(pc) =	sbr.rel @p2 .LBB2_57-.Ltmp36, $4  }
0x2a2: {  	vm1 =	veq.f32 v13, v10;
	vm2 =	vlt.s32 v15, v12  }
0x2a3: {  	vm3 =	vlt.f32 v13, v10;
	vm1 =	vmand vm1, vm2  }
0x2a4: {  	s9 =	sadd.s32 $0xFFFFFFFF, s7;
	v11 =	vor.u32 s6, v2;
	vm1 =	vmor vm3, vm1  }
0x2a5: {  	s10 =	simm.s32 $0xE4A0;
	p1 =	por $0x1, $0x1;
	s7 =	simm.s32 $0x0;
	v10 =	vsel vm1, v13, v10;
	v14 =	vsel vm1, v15, v12;
	v11 =	vsel vm1, v11, v12  }
.LBB2_58:
0x2a6: {  	v12 =	vld [tilespmem:s10+$0x0];
	vm1 =	veq.f32 v16, v10;
	vm2 =	vlt.s32 v17, v14;
	s8 =	sadd.s32 $0x10, s8;
	v13 =	vmov v17;
	p2 =	seq.s32 s9, $0x1  }
.Ltmp37:
0x2a7: {  	s9 =	sadd.s32 $0xFFFFFFFF, s9;
	vm3 =	vlt.f32 v16, v10;
	s7 =	sadd.s32 $0x10, s7;
	v17 =	vld [tilespmem:s8+$0x0];
	vm1 =	vmand vm1, vm2;
	(pc) =	sbr.rel @!p2 .LBB2_58-.Ltmp37, $3  }
0x2a8: {  	v15 =	vor.u32 s7, v2;
	vm1 =	vmor vm3, vm1  }
0x2a9: {  	v10 =	vsel vm1, v16, v10;
	v14 =	vsel vm1, v13, v14;
	v11 =	vsel vm1, v15, v11;
	_ =	sdelay $0x1  }
0x2aa: {  	s10 =	sadd.s32 $0x10, s10;
	v16 =	vmov v12  }
0x2ab: {  	v13 =	vmov v16;
	v15 =	vmov v17;
	v12 =	vmov v14  }
.LBB2_60:
.Ltmp38:
0x2ac: {  	vm1 =	veq.f32 v13, v10;
	vm2 =	vlt.s32 v15, v12;
	s7 =	sadd.s32 @p1 $0x10, s7;
	(pc) =	sbr.rel .LBB2_61-.Ltmp38, $4  }
0x2ad: {  	vm3 =	vlt.f32 v13, v10;
	vm1 =	vmand vm1, vm2;
	s6 =	smov.u32 @p1 s7  }
0x2ae: {  	v14 =	vor.u32 s6, v2;
	vm1 =	vmor vm3, vm1  }
0x2af: {  	v11 =	vsel vm1, v14, v11  }
0x2b0: {  	v13 =	vsel vm1, v13, v10;
	v10 =	vsel vm1, v15, v12;
	v11 =	vxor.u32 $0x80000000, v11  }
.LBB2_55:
.Ltmp39:
0x2b1: {  	(pc) =	sbr.rel .LBB2_60-.Ltmp39, $2  }
0x2b2: {  	_ =	sdelay $0x2  }
0x2b3: {  	s7 =	simm.s32 $0x0;
	v11 =	vimm.s32 $0x40000000  }
.LBB2_57:
.Ltmp40:
0x2b4: {  	(pc) =	sbr.rel .LBB2_60-.Ltmp40, $2  }
0x2b5: {  	_ =	sdelay $0x2  }
0x2b6: {  	v13 =	vmov v16;
	v15 =	vmov v17;
	v12 =	vmov v14;
	s7 =	simm.s32 $0x0  }
.LBB2_15:
.Ltmp41:
0x2b7: {  	(pc) =	sbr.rel .LBB2_24-.Ltmp41, $2  }
0x2b8: {  	_ =	sdelay $0x2  }
0x2b9: {  	v16 =	vimm.s32 $0x0  }
.LBB2_44:
.Ltmp42:
0x2ba: {  	(pc) =	sbr.rel .LBB2_53-.Ltmp42, $2  }
0x2bb: {  	_ =	sdelay $0x2  }
0x2bc: {  	v19 =	vimm.s32 $0x0  }
.LBB2_17:
.Ltmp43:
0x2bd: {  	(pc) =	sbr.rel .LBB2_24-.Ltmp43, $2  }
0x2be: {  	_ =	sdelay $0x2  }
0x2bf: {  	v12 =	vmov v10;
	v16 =	vimm.s32 $0x0  }
.LBB2_46:
.Ltmp44:
0x2c0: {  	(pc) =	sbr.rel .LBB2_53-.Ltmp44, $2  }
0x2c1: {  	_ =	sdelay $0x2  }
0x2c2: {  	v15 =	vmov v13;
	v19 =	vimm.s32 $0x0  }
.LBB2_19:
.Ltmp45:
0x2c3: {  	(pc) =	sbr.rel .LBB2_24-.Ltmp45, $2  }
0x2c4: {  	_ =	sdelay $0x2  }
0x2c5: {  	vm3 =	vmmov vm1;
	v16 =	vimm.s32 $0x0;
	v17 =	vmovc v10;
	v14 =	vmov v6  }
.LBB2_48:
.Ltmp46:
0x2c6: {  	(pc) =	sbr.rel .LBB2_53-.Ltmp46, $2  }
0x2c7: {  	_ =	sdelay $0x2  }
0x2c8: {  	vm3 =	vmmov vm1;
	v19 =	vimm.s32 $0x0;
	v20 =	vmovc v13;
	v17 =	vmov v12  }
.LBB2_21:
.Ltmp47:
0x2c9: {  	(pc) =	sbr.rel .LBB2_24-.Ltmp47, $2  }
0x2ca: {  	_ =	sdelay $0x2  }
0x2cb: {  	v17 =	vmovc v12;
	v16 =	vimm.s32 $0x0;
	v11 =	vmovc v10;
	v12 =	vmov v19;
	v15 =	vmov v6  }
.LBB2_50:
.Ltmp48:
0x2cc: {  	(pc) =	sbr.rel .LBB2_53-.Ltmp48, $2  }
0x2cd: {  	_ =	sdelay $0x2  }
0x2ce: {  	v20 =	vmovc v15;
	v19 =	vimm.s32 $0x0;
	v14 =	vmovc v13;
	v15 =	vmov v22;
	v18 =	vmov v12  }
.LBB2_64:
0x2cf: {  	_ =	sfence.sel $0x180000  }
0x2d0: {  	[bflag:$0x0] =	sbarrier.arrive $0xFFFF  }
0x2d1: {  	_ =	strace $0x90000047  }
0x2d2: {  	s0 =	stileid.u32;
	[bflag:$0x2] =	sbarrier.arrive $0xFFFF  }
0x2d3: {  	p0 =	sne.s32 s0, $0x0;
	s0 =	rddreg [dreg:$0x3]  }
0x2d4: {  	s0 =	sadd.s32 @!p0 $0x100000, s0  }
0x2d5: {  	[sflag:s0] =	ssyncadd.tile.s32 @!p0 $0x1;
	_ =	shalt  }
.Lfunc_end2:
_tile_overlayer_lowered:
.L_overlay_start_2:
0x2d6: {  	(tag) =	ssettag $0x2  }
0x2d7: {  	s0 =	rddreg [dreg:$0x0];
	s2 =	stileid.u32  }
0x2d8: {  	s1 =	rddreg [dreg:$0x1];
	p0 =	sne.s32 s2, $0x0  }
0x2d9: {  	s3 =	rddreg [dreg:$0x2];
	[bflag:$0x3] =	sbarrier.arrive $0xFFFF;
	s2 =	simm.s32 @!p0 $0x1C03  }
0x2da: {  	[timem:s3], [sflag:s2] =	dma.local @!p0 [hbm:s0], s1  }
0x2db: {  	s0 =	simm.s32 @!p0 $0x3  }
0x2dc: {  	_ =	swait.ge @!p0 [sflag:s0], s1  }
0x2dd: {  	s1 =	ssub.s32 @!p0 $0x0, s1;
	[sflag:s0] =	ssyncset.done @!p0 $0x0  }
0x2de: {  	[sflag:s0] =	ssyncadd.s32 @!p0 s1  }
0x2df: {  	[bflag:$0x3] =	sbarrier.arrive $0xFFFF  }
0x2e0: {  	_ =	shalt  }

</sc_bundles>
